<compile_context>
chip_gen: v7x
topology: tpu7x:2x2x1
jax: 0.10.2.dev20260603
libtpu: 0.0.44.dev20260713+nightly
codegen_flags: <defaults>
</compile_context>

<pallas_src>
import functools
import jax
import jax.numpy as jnp
from jax import lax
from jax.experimental import pallas as pl
from jax.experimental.pallas import tpu as pltpu
from jax.experimental.pallas import tpu_sc as plsc

HIDDEN = 768
HEADS = 12
HEAD_DIM = 64
B = 4
N = 512
R = 16
E = 65536
SCALE = 0.125
NEG = -1e9
CH = 512


def _qkv_body(x_ref, w_ref, b_ref, out_ref):
    out_ref[...] = (
        jnp.dot(x_ref[...], w_ref[...], preferred_element_type=jnp.float32)
        + b_ref[...])


def _qkv(x2d, Wcat, bcat, interpret=False):
    ROWS = 256
    return pl.pallas_call(
        _qkv_body,
        grid=(B * N // ROWS, 3),
        in_specs=[
            pl.BlockSpec((ROWS, HIDDEN), lambda i, j: (i, 0)),
            pl.BlockSpec((HIDDEN, HIDDEN), lambda i, j: (0, j)),
            pl.BlockSpec((1, HIDDEN), lambda i, j: (0, j)),
        ],
        out_specs=pl.BlockSpec((ROWS, HIDDEN), lambda i, j: (i, j)),
        out_shape=jax.ShapeDtypeStruct((B * N, 3 * HIDDEN), jnp.float32),
        interpret=interpret,
    )(x2d, Wcat, bcat)


def _attn_body(q_ref, k_ref, v_ref, rb_ref, rmap_ref, out_ref):
    qc = q_ref[0]
    k = k_ref[0]
    v = v_ref[0]
    rm = rmap_ref[0]
    mask = rm >= 0

    masks = [(rm == c).astype(jnp.float32) for c in range(R)]

    for h in range(HEADS):
        sl = slice(h * HEAD_DIM, (h + 1) * HEAD_DIM)
        s = lax.dot_general(qc[:, sl], k[:, sl], (((1,), (1,)), ((), ())),
                            preferred_element_type=jnp.float32)
        bias = masks[0] * rb_ref[0, h]
        for c in range(1, R):
            bias = bias + masks[c] * rb_ref[c, h]
        logits = jnp.where(mask, s * SCALE + bias, NEG)
        m = jnp.max(logits, axis=1, keepdims=True)
        e = jnp.exp(logits - m)
        z = jnp.sum(e, axis=1, keepdims=True)
        rz = 1.0 / z
        out_ref[0, :, sl] = jnp.dot(
            e * rz, v[:, sl], preferred_element_type=jnp.float32)


def _attention(q, k, v, rel_bias, rmap, interpret=False):
    return pl.pallas_call(
        _attn_body,
        grid=(B, N // CH),
        in_specs=[
            pl.BlockSpec((1, CH, HIDDEN), lambda b, c: (b, c, 0)),
            pl.BlockSpec((1, N, HIDDEN), lambda b, c: (b, 0, 0)),
            pl.BlockSpec((1, N, HIDDEN), lambda b, c: (b, 0, 0)),
            pl.BlockSpec(memory_space=pltpu.SMEM),
            pl.BlockSpec((1, CH, N), lambda b, c: (b, c, 0)),
        ],
        out_specs=pl.BlockSpec((1, CH, HIDDEN), lambda b, c: (b, c, 0)),
        out_shape=jax.ShapeDtypeStruct((B, N, HIDDEN), jnp.float32),
        interpret=interpret,
    )(q, k, v, rel_bias, rmap)


NT = 16
NCORES = 2
EPT = E // NT
M = B * N * N
HALF = M // 2
OUT_PAD = 64
SEG = M // (NT * NCORES)
FILL = 8192
IDXROWS = EPT // 128


def _rmap_sc_body(b_hbm, i_hbm, j_hbm, r_hbm, out_hbm,
                  b_v, i_v, j_v, r_v, idx_v, val_v, fill_v, shared):
    cid = lax.axis_index("c")
    sid = lax.axis_index("s")

    base = sid * EPT
    pltpu.sync_copy(b_hbm.at[pl.ds(base, EPT)], b_v)
    pltpu.sync_copy(i_hbm.at[pl.ds(base, EPT)], i_v)
    pltpu.sync_copy(j_hbm.at[pl.ds(base, EPT)], j_v)
    pltpu.sync_copy(r_hbm.at[pl.ds(base, EPT)], r_v)

    def fill_body(t, _):
        fill_v[pl.ds(t * 16, 16)] = jnp.full((16,), -1, jnp.int32)
        return 0
    lax.fori_loop(0, FILL // 16, fill_body, 0)

    TSEG = HALF // NT
    for c in range(TSEG // FILL):
        pltpu.sync_copy(fill_v, shared.at[pl.ds(sid * TSEG + c * FILL, FILL)])

    def edge_body(t, _):
        row = t >> 3
        col = (t & 7) * 16
        bb = b_v[pl.ds(t * 16, 16)] & 3
        ii = i_v[pl.ds(t * 16, 16)] & 511
        jj = j_v[pl.ds(t * 16, 16)] & 511
        rr = r_v[pl.ds(t * 16, 16)] & 15
        local = ((bb & 1) << 18) | (ii << 9) | jj
        mine = (bb >> 1) == cid
        idx_v[row, pl.ds(col, 16)] = jnp.where(mine, local, HALF)
        val_v[row, pl.ds(col, 16)] = rr
        return 0
    lax.fori_loop(0, EPT // 16, edge_body, 0)

    plsc.subcore_barrier()

    def scat_body(row, _):
        pltpu.sync_copy(val_v.at[row], shared.at[idx_v.at[row]])
        return 0
    lax.fori_loop(0, IDXROWS, scat_body, 0)

    plsc.subcore_barrier()

    pltpu.sync_copy(shared.at[pl.ds(sid * TSEG, TSEG)],
                    out_hbm.at[pl.ds(cid * HALF + sid * TSEG, TSEG)])


def _build_rmap_sc(edge_indices):
    mesh = plsc.VectorSubcoreMesh(core_axis_name="c", subcore_axis_name="s",
                                  num_cores=NCORES, num_subcores=NT)
    f = pl.kernel(
        _rmap_sc_body,
        out_type=jax.ShapeDtypeStruct((M,), jnp.int32),
        mesh=mesh,
        scratch_types=[
            pltpu.VMEM((EPT,), jnp.int32),
            pltpu.VMEM((EPT,), jnp.int32),
            pltpu.VMEM((EPT,), jnp.int32),
            pltpu.VMEM((EPT,), jnp.int32),
            pltpu.VMEM((IDXROWS, 128), jnp.int32),
            pltpu.VMEM((IDXROWS, 128), jnp.int32),
            pltpu.VMEM((FILL,), jnp.int32),
            pltpu.VMEM_SHARED((HALF + OUT_PAD,), jnp.int32),
        ],
    )
    rmap = f(edge_indices[0], edge_indices[1], edge_indices[2],
             edge_indices[3])
    return rmap.reshape(B, N, N)


def _build_rmap_jnp(edge_indices):
    b = edge_indices[0] % B
    i = edge_indices[1] % N
    j = edge_indices[2] % N
    r = edge_indices[3] % R
    flat = (b * N + i) * N + j
    rmap = jnp.full((B * N * N,), -1, dtype=jnp.int32).at[flat].set(r)
    return rmap.reshape(B, N, N)


def _run(node_states, edge_indices, Wq, bq, Wk, bk, Wv, bv, rel_bias,
         rmap_fn, interpret=False):
    rmap = rmap_fn(edge_indices)
    Wcat = jnp.concatenate([Wq, Wk, Wv], axis=1)
    bcat = jnp.concatenate([bq, bk, bv]).reshape(1, 3 * HIDDEN)
    qkv = _qkv(node_states.reshape(B * N, HIDDEN), Wcat, bcat,
               interpret=interpret)
    qkv = qkv.reshape(B, N, 3 * HIDDEN)
    q = qkv[:, :, :HIDDEN]
    k = qkv[:, :, HIDDEN:2 * HIDDEN]
    v = qkv[:, :, 2 * HIDDEN:]
    return _attention(q, k, v, rel_bias, rmap, interpret=interpret)


def kernel(node_states, edge_indices, Wq, bq, Wk, bk, Wv, bv, rel_bias):
    return _run(node_states, edge_indices, Wq, bq, Wk, bk, Wv, bv, rel_bias,
                _build_rmap_sc)

# --- scband reference (transcript-rebuilt; emitter-appended) ---
"""Pipeline reference for scband-gatbert-self-attention-38362647888358 (READ-ONLY COPY).

The authoritative reference and input builder live on the scoring server;
editing this copy changes nothing except your own understanding.
"""

import jax, jax.numpy as jnp
import numpy as np

HIDDEN = 768
HEADS = 12
HEAD_DIM = HIDDEN // HEADS
BATCH = 4
NODES = 512
EDGES = 65536
NUM_REL = 16


def setup_inputs(seed: int = 0) -> dict:
    key = jax.random.key(seed)
    ks = jax.random.split(key, 12)
    node_states = jax.random.normal(ks[0], (BATCH, NODES, HIDDEN), dtype=jnp.float32)
    b_idx = jax.random.randint(ks[1], (EDGES,), 0, BATCH)
    h_idx = jax.random.randint(ks[2], (EDGES,), 0, NODES)
    t_idx = jax.random.randint(ks[3], (EDGES,), 0, NODES)
    r_idx = jax.random.randint(ks[4], (EDGES,), 0, NUM_REL)
    edge_indices = jnp.stack([b_idx, h_idx, t_idx, r_idx]).astype(jnp.int32)
    Wq = jax.random.normal(ks[5], (HIDDEN, HIDDEN), dtype=jnp.float32) * 0.02
    bq = jnp.zeros((HIDDEN,), dtype=jnp.float32)
    Wk = jax.random.normal(ks[6], (HIDDEN, HIDDEN), dtype=jnp.float32) * 0.02
    bk = jnp.zeros((HIDDEN,), dtype=jnp.float32)
    Wv = jax.random.normal(ks[7], (HIDDEN, HIDDEN), dtype=jnp.float32) * 0.02
    bv = jnp.zeros((HIDDEN,), dtype=jnp.float32)
    rel_bias = jax.random.normal(ks[8], (NUM_REL, HEADS), dtype=jnp.float32) * 0.02
    return {"node_states": node_states, "edge_indices": edge_indices, "Wq": Wq, "bq": bq, "Wk": Wk, "bk": bk, "Wv": Wv, "bv": bv, "rel_bias": rel_bias}


def reference(node_states, edge_indices, Wq, bq, Wk, bk, Wv, bv, rel_bias):
    B, N, H = node_states.shape
    R = rel_bias.shape[0]
    # sanitize indices into range (edge_indices rows: batch, head node, tail node, relation)
    b = edge_indices[0] % B
    i = edge_indices[1] % N
    j = edge_indices[2] % N
    r = edge_indices[3] % R
    # projections (transpose_for_scores -> (B, N, heads, head_dim))
    q = (node_states @ Wq + bq).reshape(B, N, HEADS, HEAD_DIM)
    k = (node_states @ Wk + bk).reshape(B, N, HEADS, HEAD_DIM)
    v = (node_states @ Wv + bv).reshape(B, N, HEADS, HEAD_DIM)
    # compute_attention_probs: per-edge scaled dot-product logits + relation bias,
    # scattered into a dense (B, N, N, heads) tensor (to_dense of sparse logits),
    # softmax over tail-node axis -> attention_probs (B, N, N, heads, 1)
    qe = q[b, i]  # (E, heads, head_dim) gather
    ke = k[b, j]  # (E, heads, head_dim) gather
    logits = jnp.sum(qe * ke, axis=-1) / jnp.sqrt(jnp.float32(HEAD_DIM)) + rel_bias[r]  # (E, heads)
    dense_logits = jnp.full((B, N, N, HEADS), -1e9, dtype=jnp.float32).at[b, i, j].set(logits)
    attention_probs = jax.nn.softmax(dense_logits, axis=2)  # (B, N, N, heads)
    # compute_values -> (B, 1, N, heads, head_dim); forward multiplies probs*values and sums over dim=2
    # (einsum is the identical contraction without materializing (B,N,N,heads,head_dim))
    out = jnp.einsum('bijh,bjhd->bihd', attention_probs, v)  # (B, N, heads, head_dim)
    node_out = out.reshape(B, N, HEADS * HEAD_DIM)  # flatten(start_dim=-2)
    return node_out

if __name__ == "__main__":
    import jax
    _d = setup_inputs()
    print(jax.jit(kernel)(*tuple(_d.values())))

</pallas_src>

<mosaic_0001>
#map = affine_map<(d0, d1) -> (0)>
module attributes {stable_mosaic.version = 14 : i64} {
  func.func @_rmap_sc_body(%arg0: i32, %arg1: i32, %arg2: memref<65536xi32, #tpu.memory_space<hbm>>, %arg3: memref<65536xi32, #tpu.memory_space<hbm>>, %arg4: memref<65536xi32, #tpu.memory_space<hbm>>, %arg5: memref<65536xi32, #tpu.memory_space<hbm>>, %arg6: memref<1048576xi32, #tpu.memory_space<hbm>>, %arg7: memref<4096xi32, #tpu.memory_space<vmem>>, %arg8: memref<4096xi32, #tpu.memory_space<vmem>>, %arg9: memref<4096xi32, #tpu.memory_space<vmem>>, %arg10: memref<4096xi32, #tpu.memory_space<vmem>>, %arg11: memref<32x128xi32, #tpu.memory_space<vmem>>, %arg12: memref<32x128xi32, #tpu.memory_space<vmem>>, %arg13: memref<8192xi32, #tpu.memory_space<vmem>>, %arg14: memref<524352xi32, #tpu.memory_space<vmem_shared>>) attributes {dimension_semantics = [#tpu.dimension_semantics<core_parallel>, #tpu.dimension_semantics<subcore_parallel>], iteration_bounds = array<i64: 2, 16>, scalar_prefetch = 0 : i64, scratch_operands = 8 : i64, tpu.core_type = #tpu.core_type<sc_vector_subcore>, window_params = [{transform_indices = #map}, {transform_indices = #map}, {transform_indices = #map}, {transform_indices = #map}, {transform_indices = #map}]} {
    %mul3A = arith.constant 4096 : i32
    %mul3A_0 = arith.muli %arg1, %mul3A : i32
    "tpu.region"() ({
      %run_scoped3A = tpu.sem_alloc : memref<!tpu.dma_semaphore, #tpu.memory_space<semaphore_mem>>
      %dma_start3A = tpu.memref_slice %arg2[%mul3A_0] : memref<65536xi32, #tpu.memory_space<hbm>> -> memref<4096xi32, #tpu.memory_space<hbm>>
      %dma_start3A_44 = tpu.memref_slice %arg2[%mul3A_0] : memref<65536xi32, #tpu.memory_space<hbm>> -> memref<4096xi32, #tpu.memory_space<hbm>>
      tpu.enqueue_dma source(%dma_start3A_44 : memref<4096xi32, #tpu.memory_space<hbm>>) target(%arg7 : memref<4096xi32, #tpu.memory_space<vmem>>) target_semaphore(%run_scoped3A : memref<!tpu.dma_semaphore, #tpu.memory_space<semaphore_mem>>)
      %dma_wait3A = tpu.memref_slice %arg2[%mul3A_0] : memref<65536xi32, #tpu.memory_space<hbm>> -> memref<4096xi32, #tpu.memory_space<hbm>>
      %dma_wait3A_45 = tpu.memref_slice %arg2[%mul3A_0] : memref<65536xi32, #tpu.memory_space<hbm>> -> memref<4096xi32, #tpu.memory_space<hbm>>
      tpu.wait_dma2 semaphore(%run_scoped3A : memref<!tpu.dma_semaphore, #tpu.memory_space<semaphore_mem>>) src(%dma_wait3A_45 : memref<4096xi32, #tpu.memory_space<hbm>>) dst(%arg7 : memref<4096xi32, #tpu.memory_space<vmem>>)
      tpu.yield
    }) : () -> ()
    "tpu.region"() ({
      %run_scoped3A = tpu.sem_alloc : memref<!tpu.dma_semaphore, #tpu.memory_space<semaphore_mem>>
      %dma_start3A = tpu.memref_slice %arg3[%mul3A_0] : memref<65536xi32, #tpu.memory_space<hbm>> -> memref<4096xi32, #tpu.memory_space<hbm>>
      %dma_start3A_44 = tpu.memref_slice %arg3[%mul3A_0] : memref<65536xi32, #tpu.memory_space<hbm>> -> memref<4096xi32, #tpu.memory_space<hbm>>
      tpu.enqueue_dma source(%dma_start3A_44 : memref<4096xi32, #tpu.memory_space<hbm>>) target(%arg8 : memref<4096xi32, #tpu.memory_space<vmem>>) target_semaphore(%run_scoped3A : memref<!tpu.dma_semaphore, #tpu.memory_space<semaphore_mem>>)
      %dma_wait3A = tpu.memref_slice %arg3[%mul3A_0] : memref<65536xi32, #tpu.memory_space<hbm>> -> memref<4096xi32, #tpu.memory_space<hbm>>
      %dma_wait3A_45 = tpu.memref_slice %arg3[%mul3A_0] : memref<65536xi32, #tpu.memory_space<hbm>> -> memref<4096xi32, #tpu.memory_space<hbm>>
      tpu.wait_dma2 semaphore(%run_scoped3A : memref<!tpu.dma_semaphore, #tpu.memory_space<semaphore_mem>>) src(%dma_wait3A_45 : memref<4096xi32, #tpu.memory_space<hbm>>) dst(%arg8 : memref<4096xi32, #tpu.memory_space<vmem>>)
      tpu.yield
    }) : () -> ()
    "tpu.region"() ({
      %run_scoped3A = tpu.sem_alloc : memref<!tpu.dma_semaphore, #tpu.memory_space<semaphore_mem>>
      %dma_start3A = tpu.memref_slice %arg4[%mul3A_0] : memref<65536xi32, #tpu.memory_space<hbm>> -> memref<4096xi32, #tpu.memory_space<hbm>>
      %dma_start3A_44 = tpu.memref_slice %arg4[%mul3A_0] : memref<65536xi32, #tpu.memory_space<hbm>> -> memref<4096xi32, #tpu.memory_space<hbm>>
      tpu.enqueue_dma source(%dma_start3A_44 : memref<4096xi32, #tpu.memory_space<hbm>>) target(%arg9 : memref<4096xi32, #tpu.memory_space<vmem>>) target_semaphore(%run_scoped3A : memref<!tpu.dma_semaphore, #tpu.memory_space<semaphore_mem>>)
      %dma_wait3A = tpu.memref_slice %arg4[%mul3A_0] : memref<65536xi32, #tpu.memory_space<hbm>> -> memref<4096xi32, #tpu.memory_space<hbm>>
      %dma_wait3A_45 = tpu.memref_slice %arg4[%mul3A_0] : memref<65536xi32, #tpu.memory_space<hbm>> -> memref<4096xi32, #tpu.memory_space<hbm>>
      tpu.wait_dma2 semaphore(%run_scoped3A : memref<!tpu.dma_semaphore, #tpu.memory_space<semaphore_mem>>) src(%dma_wait3A_45 : memref<4096xi32, #tpu.memory_space<hbm>>) dst(%arg9 : memref<4096xi32, #tpu.memory_space<vmem>>)
      tpu.yield
    }) : () -> ()
    "tpu.region"() ({
      %run_scoped3A = tpu.sem_alloc : memref<!tpu.dma_semaphore, #tpu.memory_space<semaphore_mem>>
      %dma_start3A = tpu.memref_slice %arg5[%mul3A_0] : memref<65536xi32, #tpu.memory_space<hbm>> -> memref<4096xi32, #tpu.memory_space<hbm>>
      %dma_start3A_44 = tpu.memref_slice %arg5[%mul3A_0] : memref<65536xi32, #tpu.memory_space<hbm>> -> memref<4096xi32, #tpu.memory_space<hbm>>
      tpu.enqueue_dma source(%dma_start3A_44 : memref<4096xi32, #tpu.memory_space<hbm>>) target(%arg10 : memref<4096xi32, #tpu.memory_space<vmem>>) target_semaphore(%run_scoped3A : memref<!tpu.dma_semaphore, #tpu.memory_space<semaphore_mem>>)
      %dma_wait3A = tpu.memref_slice %arg5[%mul3A_0] : memref<65536xi32, #tpu.memory_space<hbm>> -> memref<4096xi32, #tpu.memory_space<hbm>>
      %dma_wait3A_45 = tpu.memref_slice %arg5[%mul3A_0] : memref<65536xi32, #tpu.memory_space<hbm>> -> memref<4096xi32, #tpu.memory_space<hbm>>
      tpu.wait_dma2 semaphore(%run_scoped3A : memref<!tpu.dma_semaphore, #tpu.memory_space<semaphore_mem>>) src(%dma_wait3A_45 : memref<4096xi32, #tpu.memory_space<hbm>>) dst(%arg10 : memref<4096xi32, #tpu.memory_space<vmem>>)
      tpu.yield
    }) : () -> ()
    %scan3A = arith.constant 0 : i32
    %scan3A_1 = arith.constant 0 : i32
    %scan3A_2 = arith.constant 512 : i32
    %scan3A_3 = arith.addi %scan3A_1, %scan3A_2 : i32
    %scan3A_4 = arith.constant 1 : i32
    %scan3A_5 = scf.for %scan3A_44 = %scan3A_1 to %scan3A_3 step %scan3A_4 iter_args(%scan3A_45 = %scan3A) -> (i32)  : i32 {
      %broadcast_in_dim3A = arith.constant -1 : i32
      %broadcast_in_dim3A_46 = vector.broadcast %broadcast_in_dim3A : i32 to vector<16xi32>
      %mul3A_47 = arith.constant 16 : i32
      %mul3A_48 = arith.muli %scan3A_44, %mul3A_47 : i32
      %swap3A = arith.index_cast %mul3A_48 : i32 to index
      %swap3A_49 = tpu.vector_load %arg13[%swap3A] {strides = array<i32>} : memref<8192xi32, #tpu.memory_space<vmem>>, vector<16xi32>,
      %swap3A_50 = vector.shape_cast %swap3A_49 : vector<16xi32> to vector<16xi32>
      %swap3A_51 = vector.shape_cast %broadcast_in_dim3A_46 : vector<16xi32> to vector<16xi32>
      tpu.vector_store %arg13[%swap3A], %swap3A_51 {strides = array<i32>} : memref<8192xi32, #tpu.memory_space<vmem>>, vector<16xi32>,
      %scan3A_52 = arith.constant 0 : i32
      scf.yield %scan3A_52 : i32
    }
    %scan3A_6 = arith.constant 512 : i32
    %mul3A_7 = arith.constant 32768 : i32
    %mul3A_8 = arith.muli %arg1, %mul3A_7 : i32
    %add3A = arith.constant 0 : i32
    %add3A_9 = arith.addi %mul3A_8, %add3A : i32
    "tpu.region"() ({
      %run_scoped3A = tpu.sem_alloc : memref<!tpu.dma_semaphore, #tpu.memory_space<semaphore_mem>>
      %dma_start3A = tpu.memref_slice %arg14[%add3A_9] : memref<524352xi32, #tpu.memory_space<vmem_shared>> -> memref<8192xi32, #tpu.memory_space<vmem_shared>>
      %dma_start3A_44 = tpu.memref_slice %arg14[%add3A_9] : memref<524352xi32, #tpu.memory_space<vmem_shared>> -> memref<8192xi32, #tpu.memory_space<vmem_shared>>
      tpu.enqueue_dma source(%arg13 : memref<8192xi32, #tpu.memory_space<vmem>>) target(%dma_start3A_44 : memref<8192xi32, #tpu.memory_space<vmem_shared>>) target_semaphore(%run_scoped3A : memref<!tpu.dma_semaphore, #tpu.memory_space<semaphore_mem>>)
      %dma_wait3A = tpu.memref_slice %arg14[%add3A_9] : memref<524352xi32, #tpu.memory_space<vmem_shared>> -> memref<8192xi32, #tpu.memory_space<vmem_shared>>
      %dma_wait3A_45 = tpu.memref_slice %arg14[%add3A_9] : memref<524352xi32, #tpu.memory_space<vmem_shared>> -> memref<8192xi32, #tpu.memory_space<vmem_shared>>
      tpu.wait_dma2 semaphore(%run_scoped3A : memref<!tpu.dma_semaphore, #tpu.memory_space<semaphore_mem>>) src(%arg13 : memref<8192xi32, #tpu.memory_space<vmem>>) dst(%dma_wait3A_45 : memref<8192xi32, #tpu.memory_space<vmem_shared>>)
      tpu.yield
    }) : () -> ()
    %mul3A_10 = arith.constant 32768 : i32
    %mul3A_11 = arith.muli %arg1, %mul3A_10 : i32
    %add3A_12 = arith.constant 8192 : i32
    %add3A_13 = arith.addi %mul3A_11, %add3A_12 : i32
    "tpu.region"() ({
      %run_scoped3A = tpu.sem_alloc : memref<!tpu.dma_semaphore, #tpu.memory_space<semaphore_mem>>
      %dma_start3A = tpu.memref_slice %arg14[%add3A_13] : memref<524352xi32, #tpu.memory_space<vmem_shared>> -> memref<8192xi32, #tpu.memory_space<vmem_shared>>
      %dma_start3A_44 = tpu.memref_slice %arg14[%add3A_13] : memref<524352xi32, #tpu.memory_space<vmem_shared>> -> memref<8192xi32, #tpu.memory_space<vmem_shared>>
      tpu.enqueue_dma source(%arg13 : memref<8192xi32, #tpu.memory_space<vmem>>) target(%dma_start3A_44 : memref<8192xi32, #tpu.memory_space<vmem_shared>>) target_semaphore(%run_scoped3A : memref<!tpu.dma_semaphore, #tpu.memory_space<semaphore_mem>>)
      %dma_wait3A = tpu.memref_slice %arg14[%add3A_13] : memref<524352xi32, #tpu.memory_space<vmem_shared>> -> memref<8192xi32, #tpu.memory_space<vmem_shared>>
      %dma_wait3A_45 = tpu.memref_slice %arg14[%add3A_13] : memref<524352xi32, #tpu.memory_space<vmem_shared>> -> memref<8192xi32, #tpu.memory_space<vmem_shared>>
      tpu.wait_dma2 semaphore(%run_scoped3A : memref<!tpu.dma_semaphore, #tpu.memory_space<semaphore_mem>>) src(%arg13 : memref<8192xi32, #tpu.memory_space<vmem>>) dst(%dma_wait3A_45 : memref<8192xi32, #tpu.memory_space<vmem_shared>>)
      tpu.yield
    }) : () -> ()
    %mul3A_14 = arith.constant 32768 : i32
    %mul3A_15 = arith.muli %arg1, %mul3A_14 : i32
    %add3A_16 = arith.constant 16384 : i32
    %add3A_17 = arith.addi %mul3A_15, %add3A_16 : i32
    "tpu.region"() ({
      %run_scoped3A = tpu.sem_alloc : memref<!tpu.dma_semaphore, #tpu.memory_space<semaphore_mem>>
      %dma_start3A = tpu.memref_slice %arg14[%add3A_17] : memref<524352xi32, #tpu.memory_space<vmem_shared>> -> memref<8192xi32, #tpu.memory_space<vmem_shared>>
      %dma_start3A_44 = tpu.memref_slice %arg14[%add3A_17] : memref<524352xi32, #tpu.memory_space<vmem_shared>> -> memref<8192xi32, #tpu.memory_space<vmem_shared>>
      tpu.enqueue_dma source(%arg13 : memref<8192xi32, #tpu.memory_space<vmem>>) target(%dma_start3A_44 : memref<8192xi32, #tpu.memory_space<vmem_shared>>) target_semaphore(%run_scoped3A : memref<!tpu.dma_semaphore, #tpu.memory_space<semaphore_mem>>)
      %dma_wait3A = tpu.memref_slice %arg14[%add3A_17] : memref<524352xi32, #tpu.memory_space<vmem_shared>> -> memref<8192xi32, #tpu.memory_space<vmem_shared>>
      %dma_wait3A_45 = tpu.memref_slice %arg14[%add3A_17] : memref<524352xi32, #tpu.memory_space<vmem_shared>> -> memref<8192xi32, #tpu.memory_space<vmem_shared>>
      tpu.wait_dma2 semaphore(%run_scoped3A : memref<!tpu.dma_semaphore, #tpu.memory_space<semaphore_mem>>) src(%arg13 : memref<8192xi32, #tpu.memory_space<vmem>>) dst(%dma_wait3A_45 : memref<8192xi32, #tpu.memory_space<vmem_shared>>)
      tpu.yield
    }) : () -> ()
    %mul3A_18 = arith.constant 32768 : i32
    %mul3A_19 = arith.muli %arg1, %mul3A_18 : i32
    %add3A_20 = arith.constant 24576 : i32
    %add3A_21 = arith.addi %mul3A_19, %add3A_20 : i32
    "tpu.region"() ({
      %run_scoped3A = tpu.sem_alloc : memref<!tpu.dma_semaphore, #tpu.memory_space<semaphore_mem>>
      %dma_start3A = tpu.memref_slice %arg14[%add3A_21] : memref<524352xi32, #tpu.memory_space<vmem_shared>> -> memref<8192xi32, #tpu.memory_space<vmem_shared>>
      %dma_start3A_44 = tpu.memref_slice %arg14[%add3A_21] : memref<524352xi32, #tpu.memory_space<vmem_shared>> -> memref<8192xi32, #tpu.memory_space<vmem_shared>>
      tpu.enqueue_dma source(%arg13 : memref<8192xi32, #tpu.memory_space<vmem>>) target(%dma_start3A_44 : memref<8192xi32, #tpu.memory_space<vmem_shared>>) target_semaphore(%run_scoped3A : memref<!tpu.dma_semaphore, #tpu.memory_space<semaphore_mem>>)
      %dma_wait3A = tpu.memref_slice %arg14[%add3A_21] : memref<524352xi32, #tpu.memory_space<vmem_shared>> -> memref<8192xi32, #tpu.memory_space<vmem_shared>>
      %dma_wait3A_45 = tpu.memref_slice %arg14[%add3A_21] : memref<524352xi32, #tpu.memory_space<vmem_shared>> -> memref<8192xi32, #tpu.memory_space<vmem_shared>>
      tpu.wait_dma2 semaphore(%run_scoped3A : memref<!tpu.dma_semaphore, #tpu.memory_space<semaphore_mem>>) src(%arg13 : memref<8192xi32, #tpu.memory_space<vmem>>) dst(%dma_wait3A_45 : memref<8192xi32, #tpu.memory_space<vmem_shared>>)
      tpu.yield
    }) : () -> ()
    %scan3A_22 = arith.constant 0 : i32
    %scan3A_23 = arith.constant 0 : i32
    %scan3A_24 = arith.constant 256 : i32
    %scan3A_25 = arith.addi %scan3A_23, %scan3A_24 : i32
    %scan3A_26 = arith.constant 1 : i32
    %scan3A_27 = scf.for %scan3A_44 = %scan3A_23 to %scan3A_25 step %scan3A_26 iter_args(%scan3A_45 = %scan3A_22) -> (i32)  : i32 {
      %shift_right_arithmetic3A = arith.constant 3 : i32
      %shift_right_arithmetic3A_46 = arith.shrsi %scan3A_44, %shift_right_arithmetic3A : i32
      %and3A = arith.constant 7 : i32
      %and3A_47 = arith.andi %scan3A_44, %and3A : i32
      %mul3A_48 = arith.constant 16 : i32
      %mul3A_49 = arith.muli %and3A_47, %mul3A_48 : i32
      %mul3A_50 = arith.constant 16 : i32
      %mul3A_51 = arith.muli %scan3A_44, %mul3A_50 : i32
      %get3A = arith.index_cast %mul3A_51 : i32 to index
      %get3A_52 = tpu.vector_load %arg7[%get3A] {strides = array<i32>} : memref<4096xi32, #tpu.memory_space<vmem>>, vector<16xi32>,
      %get3A_53 = vector.shape_cast %get3A_52 : vector<16xi32> to vector<16xi32>
      %and3A_54 = arith.constant 3 : i32
      %and3A_55 = vector.broadcast %and3A_54 : i32 to vector<16xi32>
      %and3A_56 = arith.andi %get3A_53, %and3A_55 : vector<16xi32>
      %mul3A_57 = arith.constant 16 : i32
      %mul3A_58 = arith.muli %scan3A_44, %mul3A_57 : i32
      %get3A_59 = arith.index_cast %mul3A_58 : i32 to index
      %get3A_60 = tpu.vector_load %arg8[%get3A_59] {strides = array<i32>} : memref<4096xi32, #tpu.memory_space<vmem>>, vector<16xi32>,
      %get3A_61 = vector.shape_cast %get3A_60 : vector<16xi32> to vector<16xi32>
      %and3A_62 = arith.constant 511 : i32
      %and3A_63 = vector.broadcast %and3A_62 : i32 to vector<16xi32>
      %and3A_64 = arith.andi %get3A_61, %and3A_63 : vector<16xi32>
      %mul3A_65 = arith.constant 16 : i32
      %mul3A_66 = arith.muli %scan3A_44, %mul3A_65 : i32
      %get3A_67 = arith.index_cast %mul3A_66 : i32 to index
      %get3A_68 = tpu.vector_load %arg9[%get3A_67] {strides = array<i32>} : memref<4096xi32, #tpu.memory_space<vmem>>, vector<16xi32>,
      %get3A_69 = vector.shape_cast %get3A_68 : vector<16xi32> to vector<16xi32>
      %and3A_70 = arith.constant 511 : i32
      %and3A_71 = vector.broadcast %and3A_70 : i32 to vector<16xi32>
      %and3A_72 = arith.andi %get3A_69, %and3A_71 : vector<16xi32>
      %mul3A_73 = arith.constant 16 : i32
      %mul3A_74 = arith.muli %scan3A_44, %mul3A_73 : i32
      %get3A_75 = arith.index_cast %mul3A_74 : i32 to index
      %get3A_76 = tpu.vector_load %arg10[%get3A_75] {strides = array<i32>} : memref<4096xi32, #tpu.memory_space<vmem>>, vector<16xi32>,
      %get3A_77 = vector.shape_cast %get3A_76 : vector<16xi32> to vector<16xi32>
      %and3A_78 = arith.constant 15 : i32
      %and3A_79 = vector.broadcast %and3A_78 : i32 to vector<16xi32>
      %and3A_80 = arith.andi %get3A_77, %and3A_79 : vector<16xi32>
      %and3A_81 = arith.constant 1 : i32
      %and3A_82 = vector.broadcast %and3A_81 : i32 to vector<16xi32>
      %and3A_83 = arith.andi %and3A_56, %and3A_82 : vector<16xi32>
      %shift_left3A = arith.constant 18 : i32
      %shift_left3A_84 = vector.broadcast %shift_left3A : i32 to vector<16xi32>
      %shift_left3A_85 = arith.shli %and3A_83, %shift_left3A_84 : vector<16xi32>
      %shift_left3A_86 = arith.constant 9 : i32
      %shift_left3A_87 = vector.broadcast %shift_left3A_86 : i32 to vector<16xi32>
      %shift_left3A_88 = arith.shli %and3A_64, %shift_left3A_87 : vector<16xi32>
      %or3A = arith.ori %shift_left3A_85, %shift_left3A_88 : vector<16xi32>
      %or3A_89 = arith.ori %or3A, %and3A_72 : vector<16xi32>
      %shift_right_arithmetic3A_90 = arith.constant 1 : i32
      %shift_right_arithmetic3A_91 = vector.broadcast %shift_right_arithmetic3A_90 : i32 to vector<16xi32>
      %shift_right_arithmetic3A_92 = arith.shrsi %and3A_56, %shift_right_arithmetic3A_91 : vector<16xi32>
      %eq3A = vector.broadcast %arg0 : i32 to vector<16xi32>
      %eq3A_93 = arith.cmpi eq, %shift_right_arithmetic3A_92, %eq3A : vector<16xi32>
      %jit3A = arith.constant 524288 : i32
      %broadcast_in_dim3A = vector.broadcast %jit3A : i32 to vector<16xi32>
      %select_n3A = arith.select %eq3A_93, %or3A_89, %broadcast_in_dim3A : vector<16xi1>, vector<16xi32>
      %swap3A = arith.index_cast %shift_right_arithmetic3A_46 : i32 to index
      %swap3A_94 = arith.index_cast %mul3A_49 : i32 to index
      %swap3A_95 = tpu.vector_load %arg11[%swap3A, %swap3A_94] {strides = array<i32>} : memref<32x128xi32, #tpu.memory_space<vmem>>, vector<1x16xi32>,
      %swap3A_96 = vector.shape_cast %swap3A_95 : vector<1x16xi32> to vector<16xi32>
      %swap3A_97 = vector.shape_cast %select_n3A : vector<16xi32> to vector<1x16xi32>
      tpu.vector_store %arg11[%swap3A, %swap3A_94], %swap3A_97 {strides = array<i32>} : memref<32x128xi32, #tpu.memory_space<vmem>>, vector<1x16xi32>,
      %swap3A_98 = arith.index_cast %shift_right_arithmetic3A_46 : i32 to index
      %swap3A_99 = arith.index_cast %mul3A_49 : i32 to index
      %swap3A_100 = tpu.vector_load %arg12[%swap3A_98, %swap3A_99] {strides = array<i32>} : memref<32x128xi32, #tpu.memory_space<vmem>>, vector<1x16xi32>,
      %swap3A_101 = vector.shape_cast %swap3A_100 : vector<1x16xi32> to vector<16xi32>
      %swap3A_102 = vector.shape_cast %and3A_80 : vector<16xi32> to vector<1x16xi32>
      tpu.vector_store %arg12[%swap3A_98, %swap3A_99], %swap3A_102 {strides = array<i32>} : memref<32x128xi32, #tpu.memory_space<vmem>>, vector<1x16xi32>,
      %scan3A_103 = arith.constant 0 : i32
      scf.yield %scan3A_103 : i32
    }
    %scan3A_28 = arith.constant 256 : i32
    %barrier3A = arith.constant 0 : index
    tpu.barrier barrier_id(%barrier3A)
    %scan3A_29 = arith.constant 0 : i32
    %scan3A_30 = arith.constant 0 : i32
    %scan3A_31 = arith.constant 32 : i32
    %scan3A_32 = arith.addi %scan3A_30, %scan3A_31 : i32
    %scan3A_33 = arith.constant 1 : i32
    %scan3A_34 = scf.for %scan3A_44 = %scan3A_30 to %scan3A_32 step %scan3A_33 iter_args(%scan3A_45 = %scan3A_29) -> (i32)  : i32 {
      "tpu.region"() ({
        %run_scoped3A = tpu.sem_alloc : memref<!tpu.dma_semaphore, #tpu.memory_space<semaphore_mem>>
        %dma_start3A = arith.constant 0 : i32
        %dma_start3A_47 = tpu.memref_slice %arg12[%scan3A_44, %dma_start3A] : memref<32x128xi32, #tpu.memory_space<vmem>> -> memref<1x128xi32, #tpu.memory_space<vmem>>
        %dma_start3A_48 = tpu.memref_squeeze %dma_start3A_47 : memref<1x128xi32, #tpu.memory_space<vmem>> -> memref<128xi32, #tpu.memory_space<vmem>>
        %dma_start3A_49 = arith.constant 0 : i32
        %dma_start3A_50 = tpu.memref_slice %arg11[%scan3A_44, %dma_start3A_49] : memref<32x128xi32, #tpu.memory_space<vmem>> -> memref<1x128xi32, #tpu.memory_space<vmem>>
        %dma_start3A_51 = tpu.memref_squeeze %dma_start3A_50 : memref<1x128xi32, #tpu.memory_space<vmem>> -> memref<128xi32, #tpu.memory_space<vmem>>
        %dma_start3A_52 = arith.constant 0 : i32
        %dma_start3A_53 = tpu.memref_slice %arg14[%dma_start3A_52] : memref<524352xi32, #tpu.memory_space<vmem_shared>> -> memref<524352xi32, #tpu.memory_space<vmem_shared>>
        tpu.enqueue_indirect_dma source(%dma_start3A_48 : memref<128xi32, #tpu.memory_space<vmem>>) target(%dma_start3A_53 : memref<524352xi32, #tpu.memory_space<vmem_shared>>) offsets(%dma_start3A_51 : memref<128xi32, #tpu.memory_space<vmem>>) semaphore(%run_scoped3A : memref<!tpu.dma_semaphore, #tpu.memory_space<semaphore_mem>>)
        %dma_wait3A = arith.constant 0 : i32
        %dma_wait3A_54 = tpu.memref_slice %arg12[%scan3A_44, %dma_wait3A] : memref<32x128xi32, #tpu.memory_space<vmem>> -> memref<1x128xi32, #tpu.memory_space<vmem>>
        %dma_wait3A_55 = tpu.memref_squeeze %dma_wait3A_54 : memref<1x128xi32, #tpu.memory_space<vmem>> -> memref<128xi32, #tpu.memory_space<vmem>>
        %dma_wait3A_56 = arith.constant 0 : i32
        %dma_wait3A_57 = tpu.memref_slice %arg11[%scan3A_44, %dma_wait3A_56] : memref<32x128xi32, #tpu.memory_space<vmem>> -> memref<1x128xi32, #tpu.memory_space<vmem>>
        %dma_wait3A_58 = tpu.memref_squeeze %dma_wait3A_57 : memref<1x128xi32, #tpu.memory_space<vmem>> -> memref<128xi32, #tpu.memory_space<vmem>>
        %dma_wait3A_59 = arith.constant 0 : i32
        %dma_wait3A_60 = tpu.memref_slice %arg14[%dma_wait3A_59] : memref<524352xi32, #tpu.memory_space<vmem_shared>> -> memref<524352xi32, #tpu.memory_space<vmem_shared>>
        tpu.wait_indirect_dma semaphore(%run_scoped3A : memref<!tpu.dma_semaphore, #tpu.memory_space<semaphore_mem>>) src(%dma_wait3A_55 : memref<128xi32, #tpu.memory_space<vmem>>) dst(%dma_wait3A_60 : memref<524352xi32, #tpu.memory_space<vmem_shared>>)
        tpu.yield
      }) : () -> ()
      %scan3A_46 = arith.constant 0 : i32
      scf.yield %scan3A_46 : i32
    }
    %scan3A_35 = arith.constant 32 : i32
    %barrier3A_36 = arith.constant 0 : index
    tpu.barrier barrier_id(%barrier3A_36)
    %mul3A_37 = arith.constant 32768 : i32
    %mul3A_38 = arith.muli %arg1, %mul3A_37 : i32
    %mul3A_39 = arith.constant 524288 : i32
    %mul3A_40 = arith.muli %arg0, %mul3A_39 : i32
    %mul3A_41 = arith.constant 32768 : i32
    %mul3A_42 = arith.muli %arg1, %mul3A_41 : i32
    %add3A_43 = arith.addi %mul3A_40, %mul3A_42 : i32
    "tpu.region"() ({
      %run_scoped3A = tpu.sem_alloc : memref<!tpu.dma_semaphore, #tpu.memory_space<semaphore_mem>>
      %dma_start3A = tpu.memref_slice %arg6[%add3A_43] : memref<1048576xi32, #tpu.memory_space<hbm>> -> memref<32768xi32, #tpu.memory_space<hbm>>
      %dma_start3A_44 = tpu.memref_slice %arg14[%mul3A_38] : memref<524352xi32, #tpu.memory_space<vmem_shared>> -> memref<32768xi32, #tpu.memory_space<vmem_shared>>
      tpu.enqueue_dma source(%dma_start3A_44 : memref<32768xi32, #tpu.memory_space<vmem_shared>>) target(%dma_start3A : memref<32768xi32, #tpu.memory_space<hbm>>) target_semaphore(%run_scoped3A : memref<!tpu.dma_semaphore, #tpu.memory_space<semaphore_mem>>)
      %dma_wait3A = tpu.memref_slice %arg6[%add3A_43] : memref<1048576xi32, #tpu.memory_space<hbm>> -> memref<32768xi32, #tpu.memory_space<hbm>>
      %dma_wait3A_45 = tpu.memref_slice %arg14[%mul3A_38] : memref<524352xi32, #tpu.memory_space<vmem_shared>> -> memref<32768xi32, #tpu.memory_space<vmem_shared>>
      tpu.wait_dma2 semaphore(%run_scoped3A : memref<!tpu.dma_semaphore, #tpu.memory_space<semaphore_mem>>) src(%dma_wait3A_45 : memref<32768xi32, #tpu.memory_space<vmem_shared>>) dst(%dma_wait3A : memref<32768xi32, #tpu.memory_space<hbm>>)
      tpu.yield
    }) : () -> ()
    return
  }
}

module attributes {stable_mosaic.version = 14 : i64} {
  func.func @_qkv_body(%arg0: i32, %arg1: i32, %arg2: memref<256x768xf32, #tpu.memory_space<vmem>>, %arg3: memref<768x768xf32, #tpu.memory_space<vmem>>, %arg4: memref<1x768xf32, #tpu.memory_space<vmem>>, %arg5: memref<256x768xf32, #tpu.memory_space<vmem>>) attributes {dimension_semantics = [#tpu.dimension_semantics<arbitrary>, #tpu.dimension_semantics<arbitrary>], iteration_bounds = array<i64: 8, 3>, scalar_prefetch = 0 : i64, scratch_operands = 0 : i64, tpu.core_type = #tpu.core_type<tc>, window_params = [{transform_indices = @transform_0, window_bounds = array<i64: 256, 768>}, {transform_indices = @transform_1, window_bounds = array<i64: 768, 768>}, {transform_indices = @transform_2, window_bounds = array<i64: 1, 768>}, {transform_indices = @transform_3, window_bounds = array<i64: 256, 768>}]} {
    %get3A = arith.constant 0 : index
    %get3A_0 = arith.constant 0 : index
    %get3A_1 = vector.load %arg2[%get3A, %get3A_0] : memref<256x768xf32, #tpu.memory_space<vmem>>, vector<256x768xf32>
    %get3A_2 = arith.constant 0 : index
    %get3A_3 = arith.constant 0 : index
    %get3A_4 = vector.load %arg3[%get3A_2, %get3A_3] : memref<768x768xf32, #tpu.memory_space<vmem>>, vector<768x768xf32>
    %dot_general3A = arith.constant dense<0.000000e+00> : vector<256x768xf32>
    %dot_general3A_5 = tpu.matmul %get3A_1, %get3A_4, %dot_general3A {dimension_numbers = #tpu.dot_dimension_numbers<[1], [0], [0], [1], [0, 0, 1, 1], [], []>, transpose_lhs_hint = false} : vector<256x768xf32>, vector<768x768xf32>, vector<256x768xf32> -> vector<256x768xf32>
    %get3A_6 = arith.constant 0 : index
    %get3A_7 = arith.constant 0 : index
    %get3A_8 = vector.load %arg4[%get3A_6, %get3A_7] : memref<1x768xf32, #tpu.memory_space<vmem>>, vector<1x768xf32>
    %add3A = vector.broadcast %get3A_8 : vector<1x768xf32> to vector<256x768xf32>
    %add3A_9 = arith.addf %dot_general3A_5, %add3A : vector<256x768xf32>
    %swap3A = arith.constant 0 : index
    %swap3A_10 = arith.constant 0 : index
    %swap3A_11 = vector.load %arg5[%swap3A, %swap3A_10] : memref<256x768xf32, #tpu.memory_space<vmem>>, vector<256x768xf32>
    tpu.vector_store %arg5[%swap3A, %swap3A_10], %add3A_9 {strides = array<i32>} : memref<256x768xf32, #tpu.memory_space<vmem>>, vector<256x768xf32>,
    return
  }
  func.func @transform_0(%arg0: i32, %arg1: i32) -> (i32, i32) {
    %c0_i32 = arith.constant 0 : i32
    %c0_i32_0 = arith.constant 0 : i32
    return %arg0, %c0_i32 : i32, i32
  }
  func.func @transform_1(%arg0: i32, %arg1: i32) -> (i32, i32) {
    %c0_i32 = arith.constant 0 : i32
    %c0_i32_0 = arith.constant 0 : i32
    return %c0_i32, %arg1 : i32, i32
  }
  func.func @transform_2(%arg0: i32, %arg1: i32) -> (i32, i32) {
    %c0_i32 = arith.constant 0 : i32
    %c0_i32_0 = arith.constant 0 : i32
    return %c0_i32, %arg1 : i32, i32
  }
  func.func @transform_3(%arg0: i32, %arg1: i32) -> (i32, i32) {
    %c0_i32 = arith.constant 0 : i32
    return %arg0, %arg1 : i32, i32
  }
}

module attributes {stable_mosaic.version = 14 : i64} {
  func.func @_attn_body(%arg0: i32, %arg1: i32, %arg2: memref<1x512x768xf32, #tpu.memory_space<vmem>>, %arg3: memref<1x512x768xf32, #tpu.memory_space<vmem>>, %arg4: memref<1x512x768xf32, #tpu.memory_space<vmem>>, %arg5: memref<16x12xf32, #tpu.memory_space<smem>>, %arg6: memref<1x512x512xi32, #tpu.memory_space<vmem>>, %arg7: memref<1x512x768xf32, #tpu.memory_space<vmem>>) attributes {dimension_semantics = [#tpu.dimension_semantics<arbitrary>, #tpu.dimension_semantics<arbitrary>], iteration_bounds = array<i64: 4, 1>, scalar_prefetch = 0 : i64, scratch_operands = 0 : i64, tpu.core_type = #tpu.core_type<tc>, window_params = [{transform_indices = @transform_0, window_bounds = array<i64: 1, 512, 768>}, {transform_indices = @transform_1, window_bounds = array<i64: 1, 512, 768>}, {transform_indices = @transform_2, window_bounds = array<i64: 1, 512, 768>}, {transform_indices = @transform_3, window_bounds = array<i64: 16, 12>}, {transform_indices = @transform_4, window_bounds = array<i64: 1, 512, 512>}, {transform_indices = @transform_5, window_bounds = array<i64: 1, 512, 768>}]} {
    %get3A = arith.constant 0 : index
    %get3A_0 = arith.constant 0 : index
    %get3A_1 = arith.constant 0 : index
    %get3A_2 = vector.load %arg2[%get3A, %get3A_0, %get3A_1] : memref<1x512x768xf32, #tpu.memory_space<vmem>>, vector<1x512x768xf32>
    %get3A_3 = vector.shape_cast %get3A_2 : vector<1x512x768xf32> to vector<512x768xf32>
    %get3A_4 = arith.constant 0 : index
    %get3A_5 = arith.constant 0 : index
    %get3A_6 = arith.constant 0 : index
    %get3A_7 = vector.load %arg3[%get3A_4, %get3A_5, %get3A_6] : memref<1x512x768xf32, #tpu.memory_space<vmem>>, vector<1x512x768xf32>
    %get3A_8 = vector.shape_cast %get3A_7 : vector<1x512x768xf32> to vector<512x768xf32>
    %get3A_9 = arith.constant 0 : index
    %get3A_10 = arith.constant 0 : index
    %get3A_11 = arith.constant 0 : index
    %get3A_12 = vector.load %arg4[%get3A_9, %get3A_10, %get3A_11] : memref<1x512x768xf32, #tpu.memory_space<vmem>>, vector<1x512x768xf32>
    %get3A_13 = vector.shape_cast %get3A_12 : vector<1x512x768xf32> to vector<512x768xf32>
    %get3A_14 = arith.constant 0 : index
    %get3A_15 = arith.constant 0 : index
    %get3A_16 = arith.constant 0 : index
    %get3A_17 = vector.load %arg6[%get3A_14, %get3A_15, %get3A_16] : memref<1x512x512xi32, #tpu.memory_space<vmem>>, vector<1x512x512xi32>
    %get3A_18 = vector.shape_cast %get3A_17 : vector<1x512x512xi32> to vector<512x512xi32>
    %ge3A = arith.constant 0 : i32
    %ge3A_19 = vector.broadcast %ge3A : i32 to vector<512x512xi32>
    %ge3A_20 = arith.cmpi sge, %get3A_18, %ge3A_19 : vector<512x512xi32>
    %eq3A = arith.constant 0 : i32
    %eq3A_21 = vector.broadcast %eq3A : i32 to vector<512x512xi32>
    %eq3A_22 = arith.cmpi eq, %get3A_18, %eq3A_21 : vector<512x512xi32>
    %convert_element_type3A = arith.extui %eq3A_22 : vector<512x512xi1> to vector<512x512xi32>
    %convert_element_type3A_23 = arith.sitofp %convert_element_type3A : vector<512x512xi32> to vector<512x512xf32>
    %eq3A_24 = arith.constant 1 : i32
    %eq3A_25 = vector.broadcast %eq3A_24 : i32 to vector<512x512xi32>
    %eq3A_26 = arith.cmpi eq, %get3A_18, %eq3A_25 : vector<512x512xi32>
    %convert_element_type3A_27 = arith.extui %eq3A_26 : vector<512x512xi1> to vector<512x512xi32>
    %convert_element_type3A_28 = arith.sitofp %convert_element_type3A_27 : vector<512x512xi32> to vector<512x512xf32>
    %eq3A_29 = arith.constant 2 : i32
    %eq3A_30 = vector.broadcast %eq3A_29 : i32 to vector<512x512xi32>
    %eq3A_31 = arith.cmpi eq, %get3A_18, %eq3A_30 : vector<512x512xi32>
    %convert_element_type3A_32 = arith.extui %eq3A_31 : vector<512x512xi1> to vector<512x512xi32>
    %convert_element_type3A_33 = arith.sitofp %convert_element_type3A_32 : vector<512x512xi32> to vector<512x512xf32>
    %eq3A_34 = arith.constant 3 : i32
    %eq3A_35 = vector.broadcast %eq3A_34 : i32 to vector<512x512xi32>
    %eq3A_36 = arith.cmpi eq, %get3A_18, %eq3A_35 : vector<512x512xi32>
    %convert_element_type3A_37 = arith.extui %eq3A_36 : vector<512x512xi1> to vector<512x512xi32>
    %convert_element_type3A_38 = arith.sitofp %convert_element_type3A_37 : vector<512x512xi32> to vector<512x512xf32>
    %eq3A_39 = arith.constant 4 : i32
    %eq3A_40 = vector.broadcast %eq3A_39 : i32 to vector<512x512xi32>
    %eq3A_41 = arith.cmpi eq, %get3A_18, %eq3A_40 : vector<512x512xi32>
    %convert_element_type3A_42 = arith.extui %eq3A_41 : vector<512x512xi1> to vector<512x512xi32>
    %convert_element_type3A_43 = arith.sitofp %convert_element_type3A_42 : vector<512x512xi32> to vector<512x512xf32>
    %eq3A_44 = arith.constant 5 : i32
    %eq3A_45 = vector.broadcast %eq3A_44 : i32 to vector<512x512xi32>
    %eq3A_46 = arith.cmpi eq, %get3A_18, %eq3A_45 : vector<512x512xi32>
    %convert_element_type3A_47 = arith.extui %eq3A_46 : vector<512x512xi1> to vector<512x512xi32>
    %convert_element_type3A_48 = arith.sitofp %convert_element_type3A_47 : vector<512x512xi32> to vector<512x512xf32>
    %eq3A_49 = arith.constant 6 : i32
    %eq3A_50 = vector.broadcast %eq3A_49 : i32 to vector<512x512xi32>
    %eq3A_51 = arith.cmpi eq, %get3A_18, %eq3A_50 : vector<512x512xi32>
    %convert_element_type3A_52 = arith.extui %eq3A_51 : vector<512x512xi1> to vector<512x512xi32>
    %convert_element_type3A_53 = arith.sitofp %convert_element_type3A_52 : vector<512x512xi32> to vector<512x512xf32>
    %eq3A_54 = arith.constant 7 : i32
    %eq3A_55 = vector.broadcast %eq3A_54 : i32 to vector<512x512xi32>
    %eq3A_56 = arith.cmpi eq, %get3A_18, %eq3A_55 : vector<512x512xi32>
    %convert_element_type3A_57 = arith.extui %eq3A_56 : vector<512x512xi1> to vector<512x512xi32>
    %convert_element_type3A_58 = arith.sitofp %convert_element_type3A_57 : vector<512x512xi32> to vector<512x512xf32>
    %eq3A_59 = arith.constant 8 : i32
    %eq3A_60 = vector.broadcast %eq3A_59 : i32 to vector<512x512xi32>
    %eq3A_61 = arith.cmpi eq, %get3A_18, %eq3A_60 : vector<512x512xi32>
    %convert_element_type3A_62 = arith.extui %eq3A_61 : vector<512x512xi1> to vector<512x512xi32>
    %convert_element_type3A_63 = arith.sitofp %convert_element_type3A_62 : vector<512x512xi32> to vector<512x512xf32>
    %eq3A_64 = arith.constant 9 : i32
    %eq3A_65 = vector.broadcast %eq3A_64 : i32 to vector<512x512xi32>
    %eq3A_66 = arith.cmpi eq, %get3A_18, %eq3A_65 : vector<512x512xi32>
    %convert_element_type3A_67 = arith.extui %eq3A_66 : vector<512x512xi1> to vector<512x512xi32>
    %convert_element_type3A_68 = arith.sitofp %convert_element_type3A_67 : vector<512x512xi32> to vector<512x512xf32>
    %eq3A_69 = arith.constant 10 : i32
    %eq3A_70 = vector.broadcast %eq3A_69 : i32 to vector<512x512xi32>
    %eq3A_71 = arith.cmpi eq, %get3A_18, %eq3A_70 : vector<512x512xi32>
    %convert_element_type3A_72 = arith.extui %eq3A_71 : vector<512x512xi1> to vector<512x512xi32>
    %convert_element_type3A_73 = arith.sitofp %convert_element_type3A_72 : vector<512x512xi32> to vector<512x512xf32>
    %eq3A_74 = arith.constant 11 : i32
    %eq3A_75 = vector.broadcast %eq3A_74 : i32 to vector<512x512xi32>
    %eq3A_76 = arith.cmpi eq, %get3A_18, %eq3A_75 : vector<512x512xi32>
    %convert_element_type3A_77 = arith.extui %eq3A_76 : vector<512x512xi1> to vector<512x512xi32>
    %convert_element_type3A_78 = arith.sitofp %convert_element_type3A_77 : vector<512x512xi32> to vector<512x512xf32>
    %eq3A_79 = arith.constant 12 : i32
    %eq3A_80 = vector.broadcast %eq3A_79 : i32 to vector<512x512xi32>
    %eq3A_81 = arith.cmpi eq, %get3A_18, %eq3A_80 : vector<512x512xi32>
    %convert_element_type3A_82 = arith.extui %eq3A_81 : vector<512x512xi1> to vector<512x512xi32>
    %convert_element_type3A_83 = arith.sitofp %convert_element_type3A_82 : vector<512x512xi32> to vector<512x512xf32>
    %eq3A_84 = arith.constant 13 : i32
    %eq3A_85 = vector.broadcast %eq3A_84 : i32 to vector<512x512xi32>
    %eq3A_86 = arith.cmpi eq, %get3A_18, %eq3A_85 : vector<512x512xi32>
    %convert_element_type3A_87 = arith.extui %eq3A_86 : vector<512x512xi1> to vector<512x512xi32>
    %convert_element_type3A_88 = arith.sitofp %convert_element_type3A_87 : vector<512x512xi32> to vector<512x512xf32>
    %eq3A_89 = arith.constant 14 : i32
    %eq3A_90 = vector.broadcast %eq3A_89 : i32 to vector<512x512xi32>
    %eq3A_91 = arith.cmpi eq, %get3A_18, %eq3A_90 : vector<512x512xi32>
    %convert_element_type3A_92 = arith.extui %eq3A_91 : vector<512x512xi1> to vector<512x512xi32>
    %convert_element_type3A_93 = arith.sitofp %convert_element_type3A_92 : vector<512x512xi32> to vector<512x512xf32>
    %eq3A_94 = arith.constant 15 : i32
    %eq3A_95 = vector.broadcast %eq3A_94 : i32 to vector<512x512xi32>
    %eq3A_96 = arith.cmpi eq, %get3A_18, %eq3A_95 : vector<512x512xi32>
    %convert_element_type3A_97 = arith.extui %eq3A_96 : vector<512x512xi1> to vector<512x512xi32>
    %convert_element_type3A_98 = arith.sitofp %convert_element_type3A_97 : vector<512x512xi32> to vector<512x512xf32>
    %slice3A = vector.extract_strided_slice %get3A_3 {offsets = [0, 0], sizes = [512, 64], strides = [1, 1]} : vector<512x768xf32> to vector<512x64xf32>
    %slice3A_99 = vector.extract_strided_slice %get3A_8 {offsets = [0, 0], sizes = [512, 64], strides = [1, 1]} : vector<512x768xf32> to vector<512x64xf32>
    %dot_general3A = arith.constant dense<0.000000e+00> : vector<512x512xf32>
    %dot_general3A_100 = tpu.matmul %slice3A, %slice3A_99, %dot_general3A {dimension_numbers = #tpu.dot_dimension_numbers<[1], [1], [0], [0], [0, 0, 1, 0], [], []>, transpose_lhs_hint = false} : vector<512x64xf32>, vector<512x64xf32>, vector<512x512xf32> -> vector<512x512xf32>
    %get3A_101 = arith.constant 0 : index
    %get3A_102 = arith.constant 0 : index
    %get3A_103 = memref.load %arg5[%get3A_101, %get3A_102] : memref<16x12xf32, #tpu.memory_space<smem>>
    %mul3A = vector.broadcast %get3A_103 : f32 to vector<512x512xf32>
    %mul3A_104 = arith.mulf %convert_element_type3A_23, %mul3A : vector<512x512xf32>
    %get3A_105 = arith.constant 1 : index
    %get3A_106 = arith.constant 0 : index
    %get3A_107 = memref.load %arg5[%get3A_105, %get3A_106] : memref<16x12xf32, #tpu.memory_space<smem>>
    %mul3A_108 = vector.broadcast %get3A_107 : f32 to vector<512x512xf32>
    %mul3A_109 = arith.mulf %convert_element_type3A_28, %mul3A_108 : vector<512x512xf32>
    %add3A = arith.addf %mul3A_104, %mul3A_109 : vector<512x512xf32>
    %get3A_110 = arith.constant 2 : index
    %get3A_111 = arith.constant 0 : index
    %get3A_112 = memref.load %arg5[%get3A_110, %get3A_111] : memref<16x12xf32, #tpu.memory_space<smem>>
    %mul3A_113 = vector.broadcast %get3A_112 : f32 to vector<512x512xf32>
    %mul3A_114 = arith.mulf %convert_element_type3A_33, %mul3A_113 : vector<512x512xf32>
    %add3A_115 = arith.addf %add3A, %mul3A_114 : vector<512x512xf32>
    %get3A_116 = arith.constant 3 : index
    %get3A_117 = arith.constant 0 : index
    %get3A_118 = memref.load %arg5[%get3A_116, %get3A_117] : memref<16x12xf32, #tpu.memory_space<smem>>
    %mul3A_119 = vector.broadcast %get3A_118 : f32 to vector<512x512xf32>
    %mul3A_120 = arith.mulf %convert_element_type3A_38, %mul3A_119 : vector<512x512xf32>
    %add3A_121 = arith.addf %add3A_115, %mul3A_120 : vector<512x512xf32>
    %get3A_122 = arith.constant 4 : index
    %get3A_123 = arith.constant 0 : index
    %get3A_124 = memref.load %arg5[%get3A_122, %get3A_123] : memref<16x12xf32, #tpu.memory_space<smem>>
    %mul3A_125 = vector.broadcast %get3A_124 : f32 to vector<512x512xf32>
    %mul3A_126 = arith.mulf %convert_element_type3A_43, %mul3A_125 : vector<512x512xf32>
    %add3A_127 = arith.addf %add3A_121, %mul3A_126 : vector<512x512xf32>
    %get3A_128 = arith.constant 5 : index
    %get3A_129 = arith.constant 0 : index
    %get3A_130 = memref.load %arg5[%get3A_128, %get3A_129] : memref<16x12xf32, #tpu.memory_space<smem>>
    %mul3A_131 = vector.broadcast %get3A_130 : f32 to vector<512x512xf32>
    %mul3A_132 = arith.mulf %convert_element_type3A_48, %mul3A_131 : vector<512x512xf32>
    %add3A_133 = arith.addf %add3A_127, %mul3A_132 : vector<512x512xf32>
    %get3A_134 = arith.constant 6 : index
    %get3A_135 = arith.constant 0 : index
    %get3A_136 = memref.load %arg5[%get3A_134, %get3A_135] : memref<16x12xf32, #tpu.memory_space<smem>>
    %mul3A_137 = vector.broadcast %get3A_136 : f32 to vector<512x512xf32>
    %mul3A_138 = arith.mulf %convert_element_type3A_53, %mul3A_137 : vector<512x512xf32>
    %add3A_139 = arith.addf %add3A_133, %mul3A_138 : vector<512x512xf32>
    %get3A_140 = arith.constant 7 : index
    %get3A_141 = arith.constant 0 : index
    %get3A_142 = memref.load %arg5[%get3A_140, %get3A_141] : memref<16x12xf32, #tpu.memory_space<smem>>
    %mul3A_143 = vector.broadcast %get3A_142 : f32 to vector<512x512xf32>
    %mul3A_144 = arith.mulf %convert_element_type3A_58, %mul3A_143 : vector<512x512xf32>
    %add3A_145 = arith.addf %add3A_139, %mul3A_144 : vector<512x512xf32>
    %get3A_146 = arith.constant 8 : index
    %get3A_147 = arith.constant 0 : index
    %get3A_148 = memref.load %arg5[%get3A_146, %get3A_147] : memref<16x12xf32, #tpu.memory_space<smem>>
    %mul3A_149 = vector.broadcast %get3A_148 : f32 to vector<512x512xf32>
    %mul3A_150 = arith.mulf %convert_element_type3A_63, %mul3A_149 : vector<512x512xf32>
    %add3A_151 = arith.addf %add3A_145, %mul3A_150 : vector<512x512xf32>
    %get3A_152 = arith.constant 9 : index
    %get3A_153 = arith.constant 0 : index
    %get3A_154 = memref.load %arg5[%get3A_152, %get3A_153] : memref<16x12xf32, #tpu.memory_space<smem>>
    %mul3A_155 = vector.broadcast %get3A_154 : f32 to vector<512x512xf32>
    %mul3A_156 = arith.mulf %convert_element_type3A_68, %mul3A_155 : vector<512x512xf32>
    %add3A_157 = arith.addf %add3A_151, %mul3A_156 : vector<512x512xf32>
    %get3A_158 = arith.constant 10 : index
    %get3A_159 = arith.constant 0 : index
    %get3A_160 = memref.load %arg5[%get3A_158, %get3A_159] : memref<16x12xf32, #tpu.memory_space<smem>>
    %mul3A_161 = vector.broadcast %get3A_160 : f32 to vector<512x512xf32>
    %mul3A_162 = arith.mulf %convert_element_type3A_73, %mul3A_161 : vector<512x512xf32>
    %add3A_163 = arith.addf %add3A_157, %mul3A_162 : vector<512x512xf32>
    %get3A_164 = arith.constant 11 : index
    %get3A_165 = arith.constant 0 : index
    %get3A_166 = memref.load %arg5[%get3A_164, %get3A_165] : memref<16x12xf32, #tpu.memory_space<smem>>
    %mul3A_167 = vector.broadcast %get3A_166 : f32 to vector<512x512xf32>
    %mul3A_168 = arith.mulf %convert_element_type3A_78, %mul3A_167 : vector<512x512xf32>
    %add3A_169 = arith.addf %add3A_163, %mul3A_168 : vector<512x512xf32>
    %get3A_170 = arith.constant 12 : index
    %get3A_171 = arith.constant 0 : index
    %get3A_172 = memref.load %arg5[%get3A_170, %get3A_171] : memref<16x12xf32, #tpu.memory_space<smem>>
    %mul3A_173 = vector.broadcast %get3A_172 : f32 to vector<512x512xf32>
    %mul3A_174 = arith.mulf %convert_element_type3A_83, %mul3A_173 : vector<512x512xf32>
    %add3A_175 = arith.addf %add3A_169, %mul3A_174 : vector<512x512xf32>
    %get3A_176 = arith.constant 13 : index
    %get3A_177 = arith.constant 0 : index
    %get3A_178 = memref.load %arg5[%get3A_176, %get3A_177] : memref<16x12xf32, #tpu.memory_space<smem>>
    %mul3A_179 = vector.broadcast %get3A_178 : f32 to vector<512x512xf32>
    %mul3A_180 = arith.mulf %convert_element_type3A_88, %mul3A_179 : vector<512x512xf32>
    %add3A_181 = arith.addf %add3A_175, %mul3A_180 : vector<512x512xf32>
    %get3A_182 = arith.constant 14 : index
    %get3A_183 = arith.constant 0 : index
    %get3A_184 = memref.load %arg5[%get3A_182, %get3A_183] : memref<16x12xf32, #tpu.memory_space<smem>>
    %mul3A_185 = vector.broadcast %get3A_184 : f32 to vector<512x512xf32>
    %mul3A_186 = arith.mulf %convert_element_type3A_93, %mul3A_185 : vector<512x512xf32>
    %add3A_187 = arith.addf %add3A_181, %mul3A_186 : vector<512x512xf32>
    %get3A_188 = arith.constant 15 : index
    %get3A_189 = arith.constant 0 : index
    %get3A_190 = memref.load %arg5[%get3A_188, %get3A_189] : memref<16x12xf32, #tpu.memory_space<smem>>
    %mul3A_191 = vector.broadcast %get3A_190 : f32 to vector<512x512xf32>
    %mul3A_192 = arith.mulf %convert_element_type3A_98, %mul3A_191 : vector<512x512xf32>
    %add3A_193 = arith.addf %add3A_187, %mul3A_192 : vector<512x512xf32>
    %mul3A_194 = arith.constant 1.250000e-01 : f32
    %mul3A_195 = vector.broadcast %mul3A_194 : f32 to vector<512x512xf32>
    %mul3A_196 = arith.mulf %dot_general3A_100, %mul3A_195 : vector<512x512xf32>
    %add3A_197 = arith.addf %mul3A_196, %add3A_193 : vector<512x512xf32>
    %jit3A = arith.constant -1.000000e+09 : f32
    %broadcast_in_dim3A = vector.broadcast %jit3A : f32 to vector<512x512xf32>
    %select_n3A = arith.select %ge3A_20, %add3A_197, %broadcast_in_dim3A : vector<512x512xi1>, vector<512x512xf32>
    %reduce_max3A = arith.constant dense<0xFF800000> : vector<512xf32>
    %reduce_max3A_198 = vector.multi_reduction <maximumf>, %select_n3A, %reduce_max3A [1] : vector<512x512xf32> to vector<512xf32>
    %broadcast_in_dim3A_199 = vector.shape_cast %reduce_max3A_198 : vector<512xf32> to vector<512x1xf32>
    %sub3A = vector.broadcast %broadcast_in_dim3A_199 : vector<512x1xf32> to vector<512x512xf32>
    %sub3A_200 = arith.subf %select_n3A, %sub3A : vector<512x512xf32>
    %exp3A = math.exp %sub3A_200 : vector<512x512xf32>
    %reduce_sum3A = arith.constant dense<0.000000e+00> : vector<512xf32>
    %reduce_sum3A_201 = vector.multi_reduction <add>, %exp3A, %reduce_sum3A [1] : vector<512x512xf32> to vector<512xf32>
    %broadcast_in_dim3A_202 = vector.shape_cast %reduce_sum3A_201 : vector<512xf32> to vector<512x1xf32>
    %div3A = arith.constant 1.000000e+00 : f32
    %div3A_203 = vector.broadcast %div3A : f32 to vector<512x1xf32>
    %div3A_204 = arith.divf %div3A_203, %broadcast_in_dim3A_202 : vector<512x1xf32>
    %mul3A_205 = vector.broadcast %div3A_204 : vector<512x1xf32> to vector<512x512xf32>
    %mul3A_206 = arith.mulf %exp3A, %mul3A_205 : vector<512x512xf32>
    %slice3A_207 = vector.extract_strided_slice %get3A_13 {offsets = [0, 0], sizes = [512, 64], strides = [1, 1]} : vector<512x768xf32> to vector<512x64xf32>
    %dot_general3A_208 = arith.constant dense<0.000000e+00> : vector<512x64xf32>
    %dot_general3A_209 = tpu.matmul %mul3A_206, %slice3A_207, %dot_general3A_208 {dimension_numbers = #tpu.dot_dimension_numbers<[1], [0], [0], [1], [0, 0, 1, 1], [], []>, transpose_lhs_hint = false} : vector<512x512xf32>, vector<512x64xf32>, vector<512x64xf32> -> vector<512x64xf32>
    %swap3A = arith.constant 0 : index
    %swap3A_210 = arith.constant 0 : index
    %swap3A_211 = arith.constant 0 : index
    %swap3A_212 = vector.load %arg7[%swap3A, %swap3A_210, %swap3A_211] : memref<1x512x768xf32, #tpu.memory_space<vmem>>, vector<1x512x64xf32>
    %swap3A_213 = vector.shape_cast %swap3A_212 : vector<1x512x64xf32> to vector<512x64xf32>
    %swap3A_214 = vector.shape_cast %dot_general3A_209 : vector<512x64xf32> to vector<1x512x64xf32>
    tpu.vector_store %arg7[%swap3A, %swap3A_210, %swap3A_211], %swap3A_214 {strides = array<i32>} : memref<1x512x768xf32, #tpu.memory_space<vmem>>, vector<1x512x64xf32>,
    %slice3A_215 = vector.extract_strided_slice %get3A_3 {offsets = [0, 64], sizes = [512, 64], strides = [1, 1]} : vector<512x768xf32> to vector<512x64xf32>
    %slice3A_216 = vector.extract_strided_slice %get3A_8 {offsets = [0, 64], sizes = [512, 64], strides = [1, 1]} : vector<512x768xf32> to vector<512x64xf32>
    %dot_general3A_217 = arith.constant dense<0.000000e+00> : vector<512x512xf32>
    %dot_general3A_218 = tpu.matmul %slice3A_215, %slice3A_216, %dot_general3A_217 {dimension_numbers = #tpu.dot_dimension_numbers<[1], [1], [0], [0], [0, 0, 1, 0], [], []>, transpose_lhs_hint = false} : vector<512x64xf32>, vector<512x64xf32>, vector<512x512xf32> -> vector<512x512xf32>
    %get3A_219 = arith.constant 0 : index
    %get3A_220 = arith.constant 1 : index
    %get3A_221 = memref.load %arg5[%get3A_219, %get3A_220] : memref<16x12xf32, #tpu.memory_space<smem>>
    %mul3A_222 = vector.broadcast %get3A_221 : f32 to vector<512x512xf32>
    %mul3A_223 = arith.mulf %convert_element_type3A_23, %mul3A_222 : vector<512x512xf32>
    %get3A_224 = arith.constant 1 : index
    %get3A_225 = arith.constant 1 : index
    %get3A_226 = memref.load %arg5[%get3A_224, %get3A_225] : memref<16x12xf32, #tpu.memory_space<smem>>
    %mul3A_227 = vector.broadcast %get3A_226 : f32 to vector<512x512xf32>
    %mul3A_228 = arith.mulf %convert_element_type3A_28, %mul3A_227 : vector<512x512xf32>
    %add3A_229 = arith.addf %mul3A_223, %mul3A_228 : vector<512x512xf32>
    %get3A_230 = arith.constant 2 : index
    %get3A_231 = arith.constant 1 : index
    %get3A_232 = memref.load %arg5[%get3A_230, %get3A_231] : memref<16x12xf32, #tpu.memory_space<smem>>
    %mul3A_233 = vector.broadcast %get3A_232 : f32 to vector<512x512xf32>
    %mul3A_234 = arith.mulf %convert_element_type3A_33, %mul3A_233 : vector<512x512xf32>
    %add3A_235 = arith.addf %add3A_229, %mul3A_234 : vector<512x512xf32>
    %get3A_236 = arith.constant 3 : index
    %get3A_237 = arith.constant 1 : index
    %get3A_238 = memref.load %arg5[%get3A_236, %get3A_237] : memref<16x12xf32, #tpu.memory_space<smem>>
    %mul3A_239 = vector.broadcast %get3A_238 : f32 to vector<512x512xf32>
    %mul3A_240 = arith.mulf %convert_element_type3A_38, %mul3A_239 : vector<512x512xf32>
    %add3A_241 = arith.addf %add3A_235, %mul3A_240 : vector<512x512xf32>
    %get3A_242 = arith.constant 4 : index
    %get3A_243 = arith.constant 1 : index
    %get3A_244 = memref.load %arg5[%get3A_242, %get3A_243] : memref<16x12xf32, #tpu.memory_space<smem>>
    %mul3A_245 = vector.broadcast %get3A_244 : f32 to vector<512x512xf32>
    %mul3A_246 = arith.mulf %convert_element_type3A_43, %mul3A_245 : vector<512x512xf32>
    %add3A_247 = arith.addf %add3A_241, %mul3A_246 : vector<512x512xf32>
    %get3A_248 = arith.constant 5 : index
    %get3A_249 = arith.constant 1 : index
    %get3A_250 = memref.load %arg5[%get3A_248, %get3A_249] : memref<16x12xf32, #tpu.memory_space<smem>>
    %mul3A_251 = vector.broadcast %get3A_250 : f32 to vector<512x512xf32>
    %mul3A_252 = arith.mulf %convert_element_type3A_48, %mul3A_251 : vector<512x512xf32>
    %add3A_253 = arith.addf %add3A_247, %mul3A_252 : vector<512x512xf32>
    %get3A_254 = arith.constant 6 : index
    %get3A_255 = arith.constant 1 : index
    %get3A_256 = memref.load %arg5[%get3A_254, %get3A_255] : memref<16x12xf32, #tpu.memory_space<smem>>
    %mul3A_257 = vector.broadcast %get3A_256 : f32 to vector<512x512xf32>
    %mul3A_258 = arith.mulf %convert_element_type3A_53, %mul3A_257 : vector<512x512xf32>
    %add3A_259 = arith.addf %add3A_253, %mul3A_258 : vector<512x512xf32>
    %get3A_260 = arith.constant 7 : index
    %get3A_261 = arith.constant 1 : index
    %get3A_262 = memref.load %arg5[%get3A_260, %get3A_261] : memref<16x12xf32, #tpu.memory_space<smem>>
    %mul3A_263 = vector.broadcast %get3A_262 : f32 to vector<512x512xf32>
    %mul3A_264 = arith.mulf %convert_element_type3A_58, %mul3A_263 : vector<512x512xf32>
    %add3A_265 = arith.addf %add3A_259, %mul3A_264 : vector<512x512xf32>
    %get3A_266 = arith.constant 8 : index
    %get3A_267 = arith.constant 1 : index
    %get3A_268 = memref.load %arg5[%get3A_266, %get3A_267] : memref<16x12xf32, #tpu.memory_space<smem>>
    %mul3A_269 = vector.broadcast %get3A_268 : f32 to vector<512x512xf32>
    %mul3A_270 = arith.mulf %convert_element_type3A_63, %mul3A_269 : vector<512x512xf32>
    %add3A_271 = arith.addf %add3A_265, %mul3A_270 : vector<512x512xf32>
    %get3A_272 = arith.constant 9 : index
    %get3A_273 = arith.constant 1 : index
    %get3A_274 = memref.load %arg5[%get3A_272, %get3A_273] : memref<16x12xf32, #tpu.memory_space<smem>>
    %mul3A_275 = vector.broadcast %get3A_274 : f32 to vector<512x512xf32>
    %mul3A_276 = arith.mulf %convert_element_type3A_68, %mul3A_275 : vector<512x512xf32>
    %add3A_277 = arith.addf %add3A_271, %mul3A_276 : vector<512x512xf32>
    %get3A_278 = arith.constant 10 : index
    %get3A_279 = arith.constant 1 : index
    %get3A_280 = memref.load %arg5[%get3A_278, %get3A_279] : memref<16x12xf32, #tpu.memory_space<smem>>
    %mul3A_281 = vector.broadcast %get3A_280 : f32 to vector<512x512xf32>
    %mul3A_282 = arith.mulf %convert_element_type3A_73, %mul3A_281 : vector<512x512xf32>
    %add3A_283 = arith.addf %add3A_277, %mul3A_282 : vector<512x512xf32>
    %get3A_284 = arith.constant 11 : index
    %get3A_285 = arith.constant 1 : index
    %get3A_286 = memref.load %arg5[%get3A_284, %get3A_285] : memref<16x12xf32, #tpu.memory_space<smem>>
    %mul3A_287 = vector.broadcast %get3A_286 : f32 to vector<512x512xf32>
    %mul3A_288 = arith.mulf %convert_element_type3A_78, %mul3A_287 : vector<512x512xf32>
    %add3A_289 = arith.addf %add3A_283, %mul3A_288 : vector<512x512xf32>
    %get3A_290 = arith.constant 12 : index
    %get3A_291 = arith.constant 1 : index
    %get3A_292 = memref.load %arg5[%get3A_290, %get3A_291] : memref<16x12xf32, #tpu.memory_space<smem>>
    %mul3A_293 = vector.broadcast %get3A_292 : f32 to vector<512x512xf32>
    %mul3A_294 = arith.mulf %convert_element_type3A_83, %mul3A_293 : vector<512x512xf32>
    %add3A_295 = arith.addf %add3A_289, %mul3A_294 : vector<512x512xf32>
    %get3A_296 = arith.constant 13 : index
    %get3A_297 = arith.constant 1 : index
    %get3A_298 = memref.load %arg5[%get3A_296, %get3A_297] : memref<16x12xf32, #tpu.memory_space<smem>>
    %mul3A_299 = vector.broadcast %get3A_298 : f32 to vector<512x512xf32>
    %mul3A_300 = arith.mulf %convert_element_type3A_88, %mul3A_299 : vector<512x512xf32>
    %add3A_301 = arith.addf %add3A_295, %mul3A_300 : vector<512x512xf32>
    %get3A_302 = arith.constant 14 : index
    %get3A_303 = arith.constant 1 : index
    %get3A_304 = memref.load %arg5[%get3A_302, %get3A_303] : memref<16x12xf32, #tpu.memory_space<smem>>
    %mul3A_305 = vector.broadcast %get3A_304 : f32 to vector<512x512xf32>
    %mul3A_306 = arith.mulf %convert_element_type3A_93, %mul3A_305 : vector<512x512xf32>
    %add3A_307 = arith.addf %add3A_301, %mul3A_306 : vector<512x512xf32>
    %get3A_308 = arith.constant 15 : index
    %get3A_309 = arith.constant 1 : index
    %get3A_310 = memref.load %arg5[%get3A_308, %get3A_309] : memref<16x12xf32, #tpu.memory_space<smem>>
    %mul3A_311 = vector.broadcast %get3A_310 : f32 to vector<512x512xf32>
    %mul3A_312 = arith.mulf %convert_element_type3A_98, %mul3A_311 : vector<512x512xf32>
    %add3A_313 = arith.addf %add3A_307, %mul3A_312 : vector<512x512xf32>
    %mul3A_314 = arith.constant 1.250000e-01 : f32
    %mul3A_315 = vector.broadcast %mul3A_314 : f32 to vector<512x512xf32>
    %mul3A_316 = arith.mulf %dot_general3A_218, %mul3A_315 : vector<512x512xf32>
    %add3A_317 = arith.addf %mul3A_316, %add3A_313 : vector<512x512xf32>
    %jit3A_318 = arith.constant -1.000000e+09 : f32
    %broadcast_in_dim3A_319 = vector.broadcast %jit3A_318 : f32 to vector<512x512xf32>
    %select_n3A_320 = arith.select %ge3A_20, %add3A_317, %broadcast_in_dim3A_319 : vector<512x512xi1>, vector<512x512xf32>
    %reduce_max3A_321 = arith.constant dense<0xFF800000> : vector<512xf32>
    %reduce_max3A_322 = vector.multi_reduction <maximumf>, %select_n3A_320, %reduce_max3A_321 [1] : vector<512x512xf32> to vector<512xf32>
    %broadcast_in_dim3A_323 = vector.shape_cast %reduce_max3A_322 : vector<512xf32> to vector<512x1xf32>
    %sub3A_324 = vector.broadcast %broadcast_in_dim3A_323 : vector<512x1xf32> to vector<512x512xf32>
    %sub3A_325 = arith.subf %select_n3A_320, %sub3A_324 : vector<512x512xf32>
    %exp3A_326 = math.exp %sub3A_325 : vector<512x512xf32>
    %reduce_sum3A_327 = arith.constant dense<0.000000e+00> : vector<512xf32>
    %reduce_sum3A_328 = vector.multi_reduction <add>, %exp3A_326, %reduce_sum3A_327 [1] : vector<512x512xf32> to vector<512xf32>
    %broadcast_in_dim3A_329 = vector.shape_cast %reduce_sum3A_328 : vector<512xf32> to vector<512x1xf32>
    %div3A_330 = arith.constant 1.000000e+00 : f32
    %div3A_331 = vector.broadcast %div3A_330 : f32 to vector<512x1xf32>
    %div3A_332 = arith.divf %div3A_331, %broadcast_in_dim3A_329 : vector<512x1xf32>
    %mul3A_333 = vector.broadcast %div3A_332 : vector<512x1xf32> to vector<512x512xf32>
    %mul3A_334 = arith.mulf %exp3A_326, %mul3A_333 : vector<512x512xf32>
    %slice3A_335 = vector.extract_strided_slice %get3A_13 {offsets = [0, 64], sizes = [512, 64], strides = [1, 1]} : vector<512x768xf32> to vector<512x64xf32>
    %dot_general3A_336 = arith.constant dense<0.000000e+00> : vector<512x64xf32>
    %dot_general3A_337 = tpu.matmul %mul3A_334, %slice3A_335, %dot_general3A_336 {dimension_numbers = #tpu.dot_dimension_numbers<[1], [0], [0], [1], [0, 0, 1, 1], [], []>, transpose_lhs_hint = false} : vector<512x512xf32>, vector<512x64xf32>, vector<512x64xf32> -> vector<512x64xf32>
    %swap3A_338 = arith.constant 0 : index
    %swap3A_339 = arith.constant 0 : index
    %swap3A_340 = arith.constant 64 : index
    %swap3A_341 = vector.load %arg7[%swap3A_338, %swap3A_339, %swap3A_340] : memref<1x512x768xf32, #tpu.memory_space<vmem>>, vector<1x512x64xf32>
    %swap3A_342 = vector.shape_cast %swap3A_341 : vector<1x512x64xf32> to vector<512x64xf32>
    %swap3A_343 = vector.shape_cast %dot_general3A_337 : vector<512x64xf32> to vector<1x512x64xf32>
    tpu.vector_store %arg7[%swap3A_338, %swap3A_339, %swap3A_340], %swap3A_343 {strides = array<i32>} : memref<1x512x768xf32, #tpu.memory_space<vmem>>, vector<1x512x64xf32>,
    %slice3A_344 = vector.extract_strided_slice %get3A_3 {offsets = [0, 128], sizes = [512, 64], strides = [1, 1]} : vector<512x768xf32> to vector<512x64xf32>
    %slice3A_345 = vector.extract_strided_slice %get3A_8 {offsets = [0, 128], sizes = [512, 64], strides = [1, 1]} : vector<512x768xf32> to vector<512x64xf32>
    %dot_general3A_346 = arith.constant dense<0.000000e+00> : vector<512x512xf32>
    %dot_general3A_347 = tpu.matmul %slice3A_344, %slice3A_345, %dot_general3A_346 {dimension_numbers = #tpu.dot_dimension_numbers<[1], [1], [0], [0], [0, 0, 1, 0], [], []>, transpose_lhs_hint = false} : vector<512x64xf32>, vector<512x64xf32>, vector<512x512xf32> -> vector<512x512xf32>
    %get3A_348 = arith.constant 0 : index
    %get3A_349 = arith.constant 2 : index
    %get3A_350 = memref.load %arg5[%get3A_348, %get3A_349] : memref<16x12xf32, #tpu.memory_space<smem>>
    %mul3A_351 = vector.broadcast %get3A_350 : f32 to vector<512x512xf32>
    %mul3A_352 = arith.mulf %convert_element_type3A_23, %mul3A_351 : vector<512x512xf32>
    %get3A_353 = arith.constant 1 : index
    %get3A_354 = arith.constant 2 : index
    %get3A_355 = memref.load %arg5[%get3A_353, %get3A_354] : memref<16x12xf32, #tpu.memory_space<smem>>
    %mul3A_356 = vector.broadcast %get3A_355 : f32 to vector<512x512xf32>
    %mul3A_357 = arith.mulf %convert_element_type3A_28, %mul3A_356 : vector<512x512xf32>
    %add3A_358 = arith.addf %mul3A_352, %mul3A_357 : vector<512x512xf32>
    %get3A_359 = arith.constant 2 : index
    %get3A_360 = arith.constant 2 : index
    %get3A_361 = memref.load %arg5[%get3A_359, %get3A_360] : memref<16x12xf32, #tpu.memory_space<smem>>
    %mul3A_362 = vector.broadcast %get3A_361 : f32 to vector<512x512xf32>
    %mul3A_363 = arith.mulf %convert_element_type3A_33, %mul3A_362 : vector<512x512xf32>
    %add3A_364 = arith.addf %add3A_358, %mul3A_363 : vector<512x512xf32>
    %get3A_365 = arith.constant 3 : index
    %get3A_366 = arith.constant 2 : index
    %get3A_367 = memref.load %arg5[%get3A_365, %get3A_366] : memref<16x12xf32, #tpu.memory_space<smem>>
    %mul3A_368 = vector.broadcast %get3A_367 : f32 to vector<512x512xf32>
    %mul3A_369 = arith.mulf %convert_element_type3A_38, %mul3A_368 : vector<512x512xf32>
    %add3A_370 = arith.addf %add3A_364, %mul3A_369 : vector<512x512xf32>
    %get3A_371 = arith.constant 4 : index
    %get3A_372 = arith.constant 2 : index
    %get3A_373 = memref.load %arg5[%get3A_371, %get3A_372] : memref<16x12xf32, #tpu.memory_space<smem>>
    %mul3A_374 = vector.broadcast %get3A_373 : f32 to vector<512x512xf32>
    %mul3A_375 = arith.mulf %convert_element_type3A_43, %mul3A_374 : vector<512x512xf32>
    %add3A_376 = arith.addf %add3A_370, %mul3A_375 : vector<512x512xf32>
    %get3A_377 = arith.constant 5 : index
    %get3A_378 = arith.constant 2 : index
    %get3A_379 = memref.load %arg5[%get3A_377, %get3A_378] : memref<16x12xf32, #tpu.memory_space<smem>>
    %mul3A_380 = vector.broadcast %get3A_379 : f32 to vector<512x512xf32>
    %mul3A_381 = arith.mulf %convert_element_type3A_48, %mul3A_380 : vector<512x512xf32>
    %add3A_382 = arith.addf %add3A_376, %mul3A_381 : vector<512x512xf32>
    %get3A_383 = arith.constant 6 : index
    %get3A_384 = arith.constant 2 : index
    %get3A_385 = memref.load %arg5[%get3A_383, %get3A_384] : memref<16x12xf32, #tpu.memory_space<smem>>
    %mul3A_386 = vector.broadcast %get3A_385 : f32 to vector<512x512xf32>
    %mul3A_387 = arith.mulf %convert_element_type3A_53, %mul3A_386 : vector<512x512xf32>
    %add3A_388 = arith.addf %add3A_382, %mul3A_387 : vector<512x512xf32>
    %get3A_389 = arith.constant 7 : index
    %get3A_390 = arith.constant 2 : index
    %get3A_391 = memref.load %arg5[%get3A_389, %get3A_390] : memref<16x12xf32, #tpu.memory_space<smem>>
    %mul3A_392 = vector.broadcast %get3A_391 : f32 to vector<512x512xf32>
    %mul3A_393 = arith.mulf %convert_element_type3A_58, %mul3A_392 : vector<512x512xf32>
    %add3A_394 = arith.addf %add3A_388, %mul3A_393 : vector<512x512xf32>
    %get3A_395 = arith.constant 8 : index
    %get3A_396 = arith.constant 2 : index
    %get3A_397 = memref.load %arg5[%get3A_395, %get3A_396] : memref<16x12xf32, #tpu.memory_space<smem>>
    %mul3A_398 = vector.broadcast %get3A_397 : f32 to vector<512x512xf32>
    %mul3A_399 = arith.mulf %convert_element_type3A_63, %mul3A_398 : vector<512x512xf32>
    %add3A_400 = arith.addf %add3A_394, %mul3A_399 : vector<512x512xf32>
    %get3A_401 = arith.constant 9 : index
    %get3A_402 = arith.constant 2 : index
    %get3A_403 = memref.load %arg5[%get3A_401, %get3A_402] : memref<16x12xf32, #tpu.memory_space<smem>>
    %mul3A_404 = vector.broadcast %get3A_403 : f32 to vector<512x512xf32>
    %mul3A_405 = arith.mulf %convert_element_type3A_68, %mul3A_404 : vector<512x512xf32>
    %add3A_406 = arith.addf %add3A_400, %mul3A_405 : vector<512x512xf32>
    %get3A_407 = arith.constant 10 : index
    %get3A_408 = arith.constant 2 : index
    %get3A_409 = memref.load %arg5[%get3A_407, %get3A_408] : memref<16x12xf32, #tpu.memory_space<smem>>
    %mul3A_410 = vector.broadcast %get3A_409 : f32 to vector<512x512xf32>
    %mul3A_411 = arith.mulf %convert_element_type3A_73, %mul3A_410 : vector<512x512xf32>
    %add3A_412 = arith.addf %add3A_406, %mul3A_411 : vector<512x512xf32>
    %get3A_413 = arith.constant 11 : index
    %get3A_414 = arith.constant 2 : index
    %get3A_415 = memref.load %arg5[%get3A_413, %get3A_414] : memref<16x12xf32, #tpu.memory_space<smem>>
    %mul3A_416 = vector.broadcast %get3A_415 : f32 to vector<512x512xf32>
    %mul3A_417 = arith.mulf %convert_element_type3A_78, %mul3A_416 : vector<512x512xf32>
    %add3A_418 = arith.addf %add3A_412, %mul3A_417 : vector<512x512xf32>
    %get3A_419 = arith.constant 12 : index
    %get3A_420 = arith.constant 2 : index
    %get3A_421 = memref.load %arg5[%get3A_419, %get3A_420] : memref<16x12xf32, #tpu.memory_space<smem>>
    %mul3A_422 = vector.broadcast %get3A_421 : f32 to vector<512x512xf32>
    %mul3A_423 = arith.mulf %convert_element_type3A_83, %mul3A_422 : vector<512x512xf32>
    %add3A_424 = arith.addf %add3A_418, %mul3A_423 : vector<512x512xf32>
    %get3A_425 = arith.constant 13 : index
    %get3A_426 = arith.constant 2 : index
    %get3A_427 = memref.load %arg5[%get3A_425, %get3A_426] : memref<16x12xf32, #tpu.memory_space<smem>>
    %mul3A_428 = vector.broadcast %get3A_427 : f32 to vector<512x512xf32>
    %mul3A_429 = arith.mulf %convert_element_type3A_88, %mul3A_428 : vector<512x512xf32>
    %add3A_430 = arith.addf %add3A_424, %mul3A_429 : vector<512x512xf32>
    %get3A_431 = arith.constant 14 : index
    %get3A_432 = arith.constant 2 : index
    %get3A_433 = memref.load %arg5[%get3A_431, %get3A_432] : memref<16x12xf32, #tpu.memory_space<smem>>
    %mul3A_434 = vector.broadcast %get3A_433 : f32 to vector<512x512xf32>
    %mul3A_435 = arith.mulf %convert_element_type3A_93, %mul3A_434 : vector<512x512xf32>
    %add3A_436 = arith.addf %add3A_430, %mul3A_435 : vector<512x512xf32>
    %get3A_437 = arith.constant 15 : index
    %get3A_438 = arith.constant 2 : index
    %get3A_439 = memref.load %arg5[%get3A_437, %get3A_438] : memref<16x12xf32, #tpu.memory_space<smem>>
    %mul3A_440 = vector.broadcast %get3A_439 : f32 to vector<512x512xf32>
    %mul3A_441 = arith.mulf %convert_element_type3A_98, %mul3A_440 : vector<512x512xf32>
    %add3A_442 = arith.addf %add3A_436, %mul3A_441 : vector<512x512xf32>
    %mul3A_443 = arith.constant 1.250000e-01 : f32
    %mul3A_444 = vector.broadcast %mul3A_443 : f32 to vector<512x512xf32>
    %mul3A_445 = arith.mulf %dot_general3A_347, %mul3A_444 : vector<512x512xf32>
    %add3A_446 = arith.addf %mul3A_445, %add3A_442 : vector<512x512xf32>
    %jit3A_447 = arith.constant -1.000000e+09 : f32
    %broadcast_in_dim3A_448 = vector.broadcast %jit3A_447 : f32 to vector<512x512xf32>
    %select_n3A_449 = arith.select %ge3A_20, %add3A_446, %broadcast_in_dim3A_448 : vector<512x512xi1>, vector<512x512xf32>
    %reduce_max3A_450 = arith.constant dense<0xFF800000> : vector<512xf32>
    %reduce_max3A_451 = vector.multi_reduction <maximumf>, %select_n3A_449, %reduce_max3A_450 [1] : vector<512x512xf32> to vector<512xf32>
    %broadcast_in_dim3A_452 = vector.shape_cast %reduce_max3A_451 : vector<512xf32> to vector<512x1xf32>
    %sub3A_453 = vector.broadcast %broadcast_in_dim3A_452 : vector<512x1xf32> to vector<512x512xf32>
    %sub3A_454 = arith.subf %select_n3A_449, %sub3A_453 : vector<512x512xf32>
    %exp3A_455 = math.exp %sub3A_454 : vector<512x512xf32>
    %reduce_sum3A_456 = arith.constant dense<0.000000e+00> : vector<512xf32>
    %reduce_sum3A_457 = vector.multi_reduction <add>, %exp3A_455, %reduce_sum3A_456 [1] : vector<512x512xf32> to vector<512xf32>
    %broadcast_in_dim3A_458 = vector.shape_cast %reduce_sum3A_457 : vector<512xf32> to vector<512x1xf32>
    %div3A_459 = arith.constant 1.000000e+00 : f32
    %div3A_460 = vector.broadcast %div3A_459 : f32 to vector<512x1xf32>
    %div3A_461 = arith.divf %div3A_460, %broadcast_in_dim3A_458 : vector<512x1xf32>
    %mul3A_462 = vector.broadcast %div3A_461 : vector<512x1xf32> to vector<512x512xf32>
    %mul3A_463 = arith.mulf %exp3A_455, %mul3A_462 : vector<512x512xf32>
    %slice3A_464 = vector.extract_strided_slice %get3A_13 {offsets = [0, 128], sizes = [512, 64], strides = [1, 1]} : vector<512x768xf32> to vector<512x64xf32>
    %dot_general3A_465 = arith.constant dense<0.000000e+00> : vector<512x64xf32>
    %dot_general3A_466 = tpu.matmul %mul3A_463, %slice3A_464, %dot_general3A_465 {dimension_numbers = #tpu.dot_dimension_numbers<[1], [0], [0], [1], [0, 0, 1, 1], [], []>, transpose_lhs_hint = false} : vector<512x512xf32>, vector<512x64xf32>, vector<512x64xf32> -> vector<512x64xf32>
    %swap3A_467 = arith.constant 0 : index
    %swap3A_468 = arith.constant 0 : index
    %swap3A_469 = arith.constant 128 : index
    %swap3A_470 = vector.load %arg7[%swap3A_467, %swap3A_468, %swap3A_469] : memref<1x512x768xf32, #tpu.memory_space<vmem>>, vector<1x512x64xf32>
    %swap3A_471 = vector.shape_cast %swap3A_470 : vector<1x512x64xf32> to vector<512x64xf32>
    %swap3A_472 = vector.shape_cast %dot_general3A_466 : vector<512x64xf32> to vector<1x512x64xf32>
    tpu.vector_store %arg7[%swap3A_467, %swap3A_468, %swap3A_469], %swap3A_472 {strides = array<i32>} : memref<1x512x768xf32, #tpu.memory_space<vmem>>, vector<1x512x64xf32>,
    %slice3A_473 = vector.extract_strided_slice %get3A_3 {offsets = [0, 192], sizes = [512, 64], strides = [1, 1]} : vector<512x768xf32> to vector<512x64xf32>
    %slice3A_474 = vector.extract_strided_slice %get3A_8 {offsets = [0, 192], sizes = [512, 64], strides = [1, 1]} : vector<512x768xf32> to vector<512x64xf32>
    %dot_general3A_475 = arith.constant dense<0.000000e+00> : vector<512x512xf32>
    %dot_general3A_476 = tpu.matmul %slice3A_473, %slice3A_474, %dot_general3A_475 {dimension_numbers = #tpu.dot_dimension_numbers<[1], [1], [0], [0], [0, 0, 1, 0], [], []>, transpose_lhs_hint = false} : vector<512x64xf32>, vector<512x64xf32>, vector<512x512xf32> -> vector<512x512xf32>
    %get3A_477 = arith.constant 0 : index
    %get3A_478 = arith.constant 3 : index
    %get3A_479 = memref.load %arg5[%get3A_477, %get3A_478] : memref<16x12xf32, #tpu.memory_space<smem>>
    %mul3A_480 = vector.broadcast %get3A_479 : f32 to vector<512x512xf32>
    %mul3A_481 = arith.mulf %convert_element_type3A_23, %mul3A_480 : vector<512x512xf32>
    %get3A_482 = arith.constant 1 : index
    %get3A_483 = arith.constant 3 : index
    %get3A_484 = memref.load %arg5[%get3A_482, %get3A_483] : memref<16x12xf32, #tpu.memory_space<smem>>
    %mul3A_485 = vector.broadcast %get3A_484 : f32 to vector<512x512xf32>
    %mul3A_486 = arith.mulf %convert_element_type3A_28, %mul3A_485 : vector<512x512xf32>
    %add3A_487 = arith.addf %mul3A_481, %mul3A_486 : vector<512x512xf32>
    %get3A_488 = arith.constant 2 : index
    %get3A_489 = arith.constant 3 : index
    %get3A_490 = memref.load %arg5[%get3A_488, %get3A_489] : memref<16x12xf32, #tpu.memory_space<smem>>
    %mul3A_491 = vector.broadcast %get3A_490 : f32 to vector<512x512xf32>
    %mul3A_492 = arith.mulf %convert_element_type3A_33, %mul3A_491 : vector<512x512xf32>
    %add3A_493 = arith.addf %add3A_487, %mul3A_492 : vector<512x512xf32>
    %get3A_494 = arith.constant 3 : index
    %get3A_495 = arith.constant 3 : index
    %get3A_496 = memref.load %arg5[%get3A_494, %get3A_495] : memref<16x12xf32, #tpu.memory_space<smem>>
    %mul3A_497 = vector.broadcast %get3A_496 : f32 to vector<512x512xf32>
    %mul3A_498 = arith.mulf %convert_element_type3A_38, %mul3A_497 : vector<512x512xf32>
    %add3A_499 = arith.addf %add3A_493, %mul3A_498 : vector<512x512xf32>
    %get3A_500 = arith.constant 4 : index
    %get3A_501 = arith.constant 3 : index
    %get3A_502 = memref.load %arg5[%get3A_500, %get3A_501] : memref<16x12xf32, #tpu.memory_space<smem>>
    %mul3A_503 = vector.broadcast %get3A_502 : f32 to vector<512x512xf32>
    %mul3A_504 = arith.mulf %convert_element_type3A_43, %mul3A_503 : vector<512x512xf32>
    %add3A_505 = arith.addf %add3A_499, %mul3A_504 : vector<512x512xf32>
    %get3A_506 = arith.constant 5 : index
    %get3A_507 = arith.constant 3 : index
    %get3A_508 = memref.load %arg5[%get3A_506, %get3A_507] : memref<16x12xf32, #tpu.memory_space<smem>>
    %mul3A_509 = vector.broadcast %get3A_508 : f32 to vector<512x512xf32>
    %mul3A_510 = arith.mulf %convert_element_type3A_48, %mul3A_509 : vector<512x512xf32>
    %add3A_511 = arith.addf %add3A_505, %mul3A_510 : vector<512x512xf32>
    %get3A_512 = arith.constant 6 : index
    %get3A_513 = arith.constant 3 : index
    %get3A_514 = memref.load %arg5[%get3A_512, %get3A_513] : memref<16x12xf32, #tpu.memory_space<smem>>
    %mul3A_515 = vector.broadcast %get3A_514 : f32 to vector<512x512xf32>
    %mul3A_516 = arith.mulf %convert_element_type3A_53, %mul3A_515 : vector<512x512xf32>
    %add3A_517 = arith.addf %add3A_511, %mul3A_516 : vector<512x512xf32>
    %get3A_518 = arith.constant 7 : index
    %get3A_519 = arith.constant 3 : index
    %get3A_520 = memref.load %arg5[%get3A_518, %get3A_519] : memref<16x12xf32, #tpu.memory_space<smem>>
    %mul3A_521 = vector.broadcast %get3A_520 : f32 to vector<512x512xf32>
    %mul3A_522 = arith.mulf %convert_element_type3A_58, %mul3A_521 : vector<512x512xf32>
    %add3A_523 = arith.addf %add3A_517, %mul3A_522 : vector<512x512xf32>
    %get3A_524 = arith.constant 8 : index
    %get3A_525 = arith.constant 3 : index
    %get3A_526 = memref.load %arg5[%get3A_524, %get3A_525] : memref<16x12xf32, #tpu.memory_space<smem>>
    %mul3A_527 = vector.broadcast %get3A_526 : f32 to vector<512x512xf32>
    %mul3A_528 = arith.mulf %convert_element_type3A_63, %mul3A_527 : vector<512x512xf32>
    %add3A_529 = arith.addf %add3A_523, %mul3A_528 : vector<512x512xf32>
    %get3A_530 = arith.constant 9 : index
    %get3A_531 = arith.constant 3 : index
    %get3A_532 = memref.load %arg5[%get3A_530, %get3A_531] : memref<16x12xf32, #tpu.memory_space<smem>>
    %mul3A_533 = vector.broadcast %get3A_532 : f32 to vector<512x512xf32>
    %mul3A_534 = arith.mulf %convert_element_type3A_68, %mul3A_533 : vector<512x512xf32>
    %add3A_535 = arith.addf %add3A_529, %mul3A_534 : vector<512x512xf32>
    %get3A_536 = arith.constant 10 : index
    %get3A_537 = arith.constant 3 : index
    %get3A_538 = memref.load %arg5[%get3A_536, %get3A_537] : memref<16x12xf32, #tpu.memory_space<smem>>
    %mul3A_539 = vector.broadcast %get3A_538 : f32 to vector<512x512xf32>
    %mul3A_540 = arith.mulf %convert_element_type3A_73, %mul3A_539 : vector<512x512xf32>
    %add3A_541 = arith.addf %add3A_535, %mul3A_540 : vector<512x512xf32>
    %get3A_542 = arith.constant 11 : index
    %get3A_543 = arith.constant 3 : index
    %get3A_544 = memref.load %arg5[%get3A_542, %get3A_543] : memref<16x12xf32, #tpu.memory_space<smem>>
    %mul3A_545 = vector.broadcast %get3A_544 : f32 to vector<512x512xf32>
    %mul3A_546 = arith.mulf %convert_element_type3A_78, %mul3A_545 : vector<512x512xf32>
    %add3A_547 = arith.addf %add3A_541, %mul3A_546 : vector<512x512xf32>
    %get3A_548 = arith.constant 12 : index
    %get3A_549 = arith.constant 3 : index
    %get3A_550 = memref.load %arg5[%get3A_548, %get3A_549] : memref<16x12xf32, #tpu.memory_space<smem>>
    %mul3A_551 = vector.broadcast %get3A_550 : f32 to vector<512x512xf32>
    %mul3A_552 = arith.mulf %convert_element_type3A_83, %mul3A_551 : vector<512x512xf32>
    %add3A_553 = arith.addf %add3A_547, %mul3A_552 : vector<512x512xf32>
    %get3A_554 = arith.constant 13 : index
    %get3A_555 = arith.constant 3 : index
    %get3A_556 = memref.load %arg5[%get3A_554, %get3A_555] : memref<16x12xf32, #tpu.memory_space<smem>>
    %mul3A_557 = vector.broadcast %get3A_556 : f32 to vector<512x512xf32>
    %mul3A_558 = arith.mulf %convert_element_type3A_88, %mul3A_557 : vector<512x512xf32>
    %add3A_559 = arith.addf %add3A_553, %mul3A_558 : vector<512x512xf32>
    %get3A_560 = arith.constant 14 : index
    %get3A_561 = arith.constant 3 : index
    %get3A_562 = memref.load %arg5[%get3A_560, %get3A_561] : memref<16x12xf32, #tpu.memory_space<smem>>
    %mul3A_563 = vector.broadcast %get3A_562 : f32 to vector<512x512xf32>
    %mul3A_564 = arith.mulf %convert_element_type3A_93, %mul3A_563 : vector<512x512xf32>
    %add3A_565 = arith.addf %add3A_559, %mul3A_564 : vector<512x512xf32>
    %get3A_566 = arith.constant 15 : index
    %get3A_567 = arith.constant 3 : index
    %get3A_568 = memref.load %arg5[%get3A_566, %get3A_567] : memref<16x12xf32, #tpu.memory_space<smem>>
    %mul3A_569 = vector.broadcast %get3A_568 : f32 to vector<512x512xf32>
    %mul3A_570 = arith.mulf %convert_element_type3A_98, %mul3A_569 : vector<512x512xf32>
    %add3A_571 = arith.addf %add3A_565, %mul3A_570 : vector<512x512xf32>
    %mul3A_572 = arith.constant 1.250000e-01 : f32
    %mul3A_573 = vector.broadcast %mul3A_572 : f32 to vector<512x512xf32>
    %mul3A_574 = arith.mulf %dot_general3A_476, %mul3A_573 : vector<512x512xf32>
    %add3A_575 = arith.addf %mul3A_574, %add3A_571 : vector<512x512xf32>
    %jit3A_576 = arith.constant -1.000000e+09 : f32
    %broadcast_in_dim3A_577 = vector.broadcast %jit3A_576 : f32 to vector<512x512xf32>
    %select_n3A_578 = arith.select %ge3A_20, %add3A_575, %broadcast_in_dim3A_577 : vector<512x512xi1>, vector<512x512xf32>
    %reduce_max3A_579 = arith.constant dense<0xFF800000> : vector<512xf32>
    %reduce_max3A_580 = vector.multi_reduction <maximumf>, %select_n3A_578, %reduce_max3A_579 [1] : vector<512x512xf32> to vector<512xf32>
    %broadcast_in_dim3A_581 = vector.shape_cast %reduce_max3A_580 : vector<512xf32> to vector<512x1xf32>
    %sub3A_582 = vector.broadcast %broadcast_in_dim3A_581 : vector<512x1xf32> to vector<512x512xf32>
    %sub3A_583 = arith.subf %select_n3A_578, %sub3A_582 : vector<512x512xf32>
    %exp3A_584 = math.exp %sub3A_583 : vector<512x512xf32>
    %reduce_sum3A_585 = arith.constant dense<0.000000e+00> : vector<512xf32>
    %reduce_sum3A_586 = vector.multi_reduction <add>, %exp3A_584, %reduce_sum3A_585 [1] : vector<512x512xf32> to vector<512xf32>
    %broadcast_in_dim3A_587 = vector.shape_cast %reduce_sum3A_586 : vector<512xf32> to vector<512x1xf32>
    %div3A_588 = arith.constant 1.000000e+00 : f32
    %div3A_589 = vector.broadcast %div3A_588 : f32 to vector<512x1xf32>
    %div3A_590 = arith.divf %div3A_589, %broadcast_in_dim3A_587 : vector<512x1xf32>
    %mul3A_591 = vector.broadcast %div3A_590 : vector<512x1xf32> to vector<512x512xf32>
    %mul3A_592 = arith.mulf %exp3A_584, %mul3A_591 : vector<512x512xf32>
    %slice3A_593 = vector.extract_strided_slice %get3A_13 {offsets = [0, 192], sizes = [512, 64], strides = [1, 1]} : vector<512x768xf32> to vector<512x64xf32>
    %dot_general3A_594 = arith.constant dense<0.000000e+00> : vector<512x64xf32>
    %dot_general3A_595 = tpu.matmul %mul3A_592, %slice3A_593, %dot_general3A_594 {dimension_numbers = #tpu.dot_dimension_numbers<[1], [0], [0], [1], [0, 0, 1, 1], [], []>, transpose_lhs_hint = false} : vector<512x512xf32>, vector<512x64xf32>, vector<512x64xf32> -> vector<512x64xf32>
    %swap3A_596 = arith.constant 0 : index
    %swap3A_597 = arith.constant 0 : index
    %swap3A_598 = arith.constant 192 : index
    %swap3A_599 = vector.load %arg7[%swap3A_596, %swap3A_597, %swap3A_598] : memref<1x512x768xf32, #tpu.memory_space<vmem>>, vector<1x512x64xf32>
    %swap3A_600 = vector.shape_cast %swap3A_599 : vector<1x512x64xf32> to vector<512x64xf32>
    %swap3A_601 = vector.shape_cast %dot_general3A_595 : vector<512x64xf32> to vector<1x512x64xf32>
    tpu.vector_store %arg7[%swap3A_596, %swap3A_597, %swap3A_598], %swap3A_601 {strides = array<i32>} : memref<1x512x768xf32, #tpu.memory_space<vmem>>, vector<1x512x64xf32>,
    %slice3A_602 = vector.extract_strided_slice %get3A_3 {offsets = [0, 256], sizes = [512, 64], strides = [1, 1]} : vector<512x768xf32> to vector<512x64xf32>
    %slice3A_603 = vector.extract_strided_slice %get3A_8 {offsets = [0, 256], sizes = [512, 64], strides = [1, 1]} : vector<512x768xf32> to vector<512x64xf32>
    %dot_general3A_604 = arith.constant dense<0.000000e+00> : vector<512x512xf32>
    %dot_general3A_605 = tpu.matmul %slice3A_602, %slice3A_603, %dot_general3A_604 {dimension_numbers = #tpu.dot_dimension_numbers<[1], [1], [0], [0], [0, 0, 1, 0], [], []>, transpose_lhs_hint = false} : vector<512x64xf32>, vector<512x64xf32>, vector<512x512xf32> -> vector<512x512xf32>
    %get3A_606 = arith.constant 0 : index
    %get3A_607 = arith.constant 4 : index
    %get3A_608 = memref.load %arg5[%get3A_606, %get3A_607] : memref<16x12xf32, #tpu.memory_space<smem>>
    %mul3A_609 = vector.broadcast %get3A_608 : f32 to vector<512x512xf32>
    %mul3A_610 = arith.mulf %convert_element_type3A_23, %mul3A_609 : vector<512x512xf32>
    %get3A_611 = arith.constant 1 : index
    %get3A_612 = arith.constant 4 : index
    %get3A_613 = memref.load %arg5[%get3A_611, %get3A_612] : memref<16x12xf32, #tpu.memory_space<smem>>
    %mul3A_614 = vector.broadcast %get3A_613 : f32 to vector<512x512xf32>
    %mul3A_615 = arith.mulf %convert_element_type3A_28, %mul3A_614 : vector<512x512xf32>
    %add3A_616 = arith.addf %mul3A_610, %mul3A_615 : vector<512x512xf32>
    %get3A_617 = arith.constant 2 : index
    %get3A_618 = arith.constant 4 : index
    %get3A_619 = memref.load %arg5[%get3A_617, %get3A_618] : memref<16x12xf32, #tpu.memory_space<smem>>
    %mul3A_620 = vector.broadcast %get3A_619 : f32 to vector<512x512xf32>
    %mul3A_621 = arith.mulf %convert_element_type3A_33, %mul3A_620 : vector<512x512xf32>
    %add3A_622 = arith.addf %add3A_616, %mul3A_621 : vector<512x512xf32>
    %get3A_623 = arith.constant 3 : index
    %get3A_624 = arith.constant 4 : index
    %get3A_625 = memref.load %arg5[%get3A_623, %get3A_624] : memref<16x12xf32, #tpu.memory_space<smem>>
    %mul3A_626 = vector.broadcast %get3A_625 : f32 to vector<512x512xf32>
    %mul3A_627 = arith.mulf %convert_element_type3A_38, %mul3A_626 : vector<512x512xf32>
    %add3A_628 = arith.addf %add3A_622, %mul3A_627 : vector<512x512xf32>
    %get3A_629 = arith.constant 4 : index
    %get3A_630 = arith.constant 4 : index
    %get3A_631 = memref.load %arg5[%get3A_629, %get3A_630] : memref<16x12xf32, #tpu.memory_space<smem>>
    %mul3A_632 = vector.broadcast %get3A_631 : f32 to vector<512x512xf32>
    %mul3A_633 = arith.mulf %convert_element_type3A_43, %mul3A_632 : vector<512x512xf32>
    %add3A_634 = arith.addf %add3A_628, %mul3A_633 : vector<512x512xf32>
    %get3A_635 = arith.constant 5 : index
    %get3A_636 = arith.constant 4 : index
    %get3A_637 = memref.load %arg5[%get3A_635, %get3A_636] : memref<16x12xf32, #tpu.memory_space<smem>>
    %mul3A_638 = vector.broadcast %get3A_637 : f32 to vector<512x512xf32>
    %mul3A_639 = arith.mulf %convert_element_type3A_48, %mul3A_638 : vector<512x512xf32>
    %add3A_640 = arith.addf %add3A_634, %mul3A_639 : vector<512x512xf32>
    %get3A_641 = arith.constant 6 : index
    %get3A_642 = arith.constant 4 : index
    %get3A_643 = memref.load %arg5[%get3A_641, %get3A_642] : memref<16x12xf32, #tpu.memory_space<smem>>
    %mul3A_644 = vector.broadcast %get3A_643 : f32 to vector<512x512xf32>
    %mul3A_645 = arith.mulf %convert_element_type3A_53, %mul3A_644 : vector<512x512xf32>
    %add3A_646 = arith.addf %add3A_640, %mul3A_645 : vector<512x512xf32>
    %get3A_647 = arith.constant 7 : index
    %get3A_648 = arith.constant 4 : index
    %get3A_649 = memref.load %arg5[%get3A_647, %get3A_648] : memref<16x12xf32, #tpu.memory_space<smem>>
    %mul3A_650 = vector.broadcast %get3A_649 : f32 to vector<512x512xf32>
    %mul3A_651 = arith.mulf %convert_element_type3A_58, %mul3A_650 : vector<512x512xf32>
    %add3A_652 = arith.addf %add3A_646, %mul3A_651 : vector<512x512xf32>
    %get3A_653 = arith.constant 8 : index
    %get3A_654 = arith.constant 4 : index
    %get3A_655 = memref.load %arg5[%get3A_653, %get3A_654] : memref<16x12xf32, #tpu.memory_space<smem>>
    %mul3A_656 = vector.broadcast %get3A_655 : f32 to vector<512x512xf32>
    %mul3A_657 = arith.mulf %convert_element_type3A_63, %mul3A_656 : vector<512x512xf32>
    %add3A_658 = arith.addf %add3A_652, %mul3A_657 : vector<512x512xf32>
    %get3A_659 = arith.constant 9 : index
    %get3A_660 = arith.constant 4 : index
    %get3A_661 = memref.load %arg5[%get3A_659, %get3A_660] : memref<16x12xf32, #tpu.memory_space<smem>>
    %mul3A_662 = vector.broadcast %get3A_661 : f32 to vector<512x512xf32>
    %mul3A_663 = arith.mulf %convert_element_type3A_68, %mul3A_662 : vector<512x512xf32>
    %add3A_664 = arith.addf %add3A_658, %mul3A_663 : vector<512x512xf32>
    %get3A_665 = arith.constant 10 : index
    %get3A_666 = arith.constant 4 : index
    %get3A_667 = memref.load %arg5[%get3A_665, %get3A_666] : memref<16x12xf32, #tpu.memory_space<smem>>
    %mul3A_668 = vector.broadcast %get3A_667 : f32 to vector<512x512xf32>
    %mul3A_669 = arith.mulf %convert_element_type3A_73, %mul3A_668 : vector<512x512xf32>
    %add3A_670 = arith.addf %add3A_664, %mul3A_669 : vector<512x512xf32>
    %get3A_671 = arith.constant 11 : index
    %get3A_672 = arith.constant 4 : index
    %get3A_673 = memref.load %arg5[%get3A_671, %get3A_672] : memref<16x12xf32, #tpu.memory_space<smem>>
    %mul3A_674 = vector.broadcast %get3A_673 : f32 to vector<512x512xf32>
    %mul3A_675 = arith.mulf %convert_element_type3A_78, %mul3A_674 : vector<512x512xf32>
    %add3A_676 = arith.addf %add3A_670, %mul3A_675 : vector<512x512xf32>
    %get3A_677 = arith.constant 12 : index
    %get3A_678 = arith.constant 4 : index
    %get3A_679 = memref.load %arg5[%get3A_677, %get3A_678] : memref<16x12xf32, #tpu.memory_space<smem>>
    %mul3A_680 = vector.broadcast %get3A_679 : f32 to vector<512x512xf32>
    %mul3A_681 = arith.mulf %convert_element_type3A_83, %mul3A_680 : vector<512x512xf32>
    %add3A_682 = arith.addf %add3A_676, %mul3A_681 : vector<512x512xf32>
    %get3A_683 = arith.constant 13 : index
    %get3A_684 = arith.constant 4 : index
    %get3A_685 = memref.load %arg5[%get3A_683, %get3A_684] : memref<16x12xf32, #tpu.memory_space<smem>>
    %mul3A_686 = vector.broadcast %get3A_685 : f32 to vector<512x512xf32>
    %mul3A_687 = arith.mulf %convert_element_type3A_88, %mul3A_686 : vector<512x512xf32>
    %add3A_688 = arith.addf %add3A_682, %mul3A_687 : vector<512x512xf32>
    %get3A_689 = arith.constant 14 : index
    %get3A_690 = arith.constant 4 : index
    %get3A_691 = memref.load %arg5[%get3A_689, %get3A_690] : memref<16x12xf32, #tpu.memory_space<smem>>
    %mul3A_692 = vector.broadcast %get3A_691 : f32 to vector<512x512xf32>
    %mul3A_693 = arith.mulf %convert_element_type3A_93, %mul3A_692 : vector<512x512xf32>
    %add3A_694 = arith.addf %add3A_688, %mul3A_693 : vector<512x512xf32>
    %get3A_695 = arith.constant 15 : index
    %get3A_696 = arith.constant 4 : index
    %get3A_697 = memref.load %arg5[%get3A_695, %get3A_696] : memref<16x12xf32, #tpu.memory_space<smem>>
    %mul3A_698 = vector.broadcast %get3A_697 : f32 to vector<512x512xf32>
    %mul3A_699 = arith.mulf %convert_element_type3A_98, %mul3A_698 : vector<512x512xf32>
    %add3A_700 = arith.addf %add3A_694, %mul3A_699 : vector<512x512xf32>
    %mul3A_701 = arith.constant 1.250000e-01 : f32
    %mul3A_702 = vector.broadcast %mul3A_701 : f32 to vector<512x512xf32>
    %mul3A_703 = arith.mulf %dot_general3A_605, %mul3A_702 : vector<512x512xf32>
    %add3A_704 = arith.addf %mul3A_703, %add3A_700 : vector<512x512xf32>
    %jit3A_705 = arith.constant -1.000000e+09 : f32
    %broadcast_in_dim3A_706 = vector.broadcast %jit3A_705 : f32 to vector<512x512xf32>
    %select_n3A_707 = arith.select %ge3A_20, %add3A_704, %broadcast_in_dim3A_706 : vector<512x512xi1>, vector<512x512xf32>
    %reduce_max3A_708 = arith.constant dense<0xFF800000> : vector<512xf32>
    %reduce_max3A_709 = vector.multi_reduction <maximumf>, %select_n3A_707, %reduce_max3A_708 [1] : vector<512x512xf32> to vector<512xf32>
    %broadcast_in_dim3A_710 = vector.shape_cast %reduce_max3A_709 : vector<512xf32> to vector<512x1xf32>
    %sub3A_711 = vector.broadcast %broadcast_in_dim3A_710 : vector<512x1xf32> to vector<512x512xf32>
    %sub3A_712 = arith.subf %select_n3A_707, %sub3A_711 : vector<512x512xf32>
    %exp3A_713 = math.exp %sub3A_712 : vector<512x512xf32>
    %reduce_sum3A_714 = arith.constant dense<0.000000e+00> : vector<512xf32>
    %reduce_sum3A_715 = vector.multi_reduction <add>, %exp3A_713, %reduce_sum3A_714 [1] : vector<512x512xf32> to vector<512xf32>
    %broadcast_in_dim3A_716 = vector.shape_cast %reduce_sum3A_715 : vector<512xf32> to vector<512x1xf32>
    %div3A_717 = arith.constant 1.000000e+00 : f32
    %div3A_718 = vector.broadcast %div3A_717 : f32 to vector<512x1xf32>
    %div3A_719 = arith.divf %div3A_718, %broadcast_in_dim3A_716 : vector<512x1xf32>
    %mul3A_720 = vector.broadcast %div3A_719 : vector<512x1xf32> to vector<512x512xf32>
    %mul3A_721 = arith.mulf %exp3A_713, %mul3A_720 : vector<512x512xf32>
    %slice3A_722 = vector.extract_strided_slice %get3A_13 {offsets = [0, 256], sizes = [512, 64], strides = [1, 1]} : vector<512x768xf32> to vector<512x64xf32>
    %dot_general3A_723 = arith.constant dense<0.000000e+00> : vector<512x64xf32>
    %dot_general3A_724 = tpu.matmul %mul3A_721, %slice3A_722, %dot_general3A_723 {dimension_numbers = #tpu.dot_dimension_numbers<[1], [0], [0], [1], [0, 0, 1, 1], [], []>, transpose_lhs_hint = false} : vector<512x512xf32>, vector<512x64xf32>, vector<512x64xf32> -> vector<512x64xf32>
    %swap3A_725 = arith.constant 0 : index
    %swap3A_726 = arith.constant 0 : index
    %swap3A_727 = arith.constant 256 : index
    %swap3A_728 = vector.load %arg7[%swap3A_725, %swap3A_726, %swap3A_727] : memref<1x512x768xf32, #tpu.memory_space<vmem>>, vector<1x512x64xf32>
    %swap3A_729 = vector.shape_cast %swap3A_728 : vector<1x512x64xf32> to vector<512x64xf32>
    %swap3A_730 = vector.shape_cast %dot_general3A_724 : vector<512x64xf32> to vector<1x512x64xf32>
    tpu.vector_store %arg7[%swap3A_725, %swap3A_726, %swap3A_727], %swap3A_730 {strides = array<i32>} : memref<1x512x768xf32, #tpu.memory_space<vmem>>, vector<1x512x64xf32>,
    %slice3A_731 = vector.extract_strided_slice %get3A_3 {offsets = [0, 320], sizes = [512, 64], strides = [1, 1]} : vector<512x768xf32> to vector<512x64xf32>
    %slice3A_732 = vector.extract_strided_slice %get3A_8 {offsets = [0, 320], sizes = [512, 64], strides = [1, 1]} : vector<512x768xf32> to vector<512x64xf32>
    %dot_general3A_733 = arith.constant dense<0.000000e+00> : vector<512x512xf32>
    %dot_general3A_734 = tpu.matmul %slice3A_731, %slice3A_732, %dot_general3A_733 {dimension_numbers = #tpu.dot_dimension_numbers<[1], [1], [0], [0], [0, 0, 1, 0], [], []>, transpose_lhs_hint = false} : vector<512x64xf32>, vector<512x64xf32>, vector<512x512xf32> -> vector<512x512xf32>
    %get3A_735 = arith.constant 0 : index
    %get3A_736 = arith.constant 5 : index
    %get3A_737 = memref.load %arg5[%get3A_735, %get3A_736] : memref<16x12xf32, #tpu.memory_space<smem>>
    %mul3A_738 = vector.broadcast %get3A_737 : f32 to vector<512x512xf32>
    %mul3A_739 = arith.mulf %convert_element_type3A_23, %mul3A_738 : vector<512x512xf32>
    %get3A_740 = arith.constant 1 : index
    %get3A_741 = arith.constant 5 : index
    %get3A_742 = memref.load %arg5[%get3A_740, %get3A_741] : memref<16x12xf32, #tpu.memory_space<smem>>
    %mul3A_743 = vector.broadcast %get3A_742 : f32 to vector<512x512xf32>
    %mul3A_744 = arith.mulf %convert_element_type3A_28, %mul3A_743 : vector<512x512xf32>
    %add3A_745 = arith.addf %mul3A_739, %mul3A_744 : vector<512x512xf32>
    %get3A_746 = arith.constant 2 : index
    %get3A_747 = arith.constant 5 : index
    %get3A_748 = memref.load %arg5[%get3A_746, %get3A_747] : memref<16x12xf32, #tpu.memory_space<smem>>
    %mul3A_749 = vector.broadcast %get3A_748 : f32 to vector<512x512xf32>
    %mul3A_750 = arith.mulf %convert_element_type3A_33, %mul3A_749 : vector<512x512xf32>
    %add3A_751 = arith.addf %add3A_745, %mul3A_750 : vector<512x512xf32>
    %get3A_752 = arith.constant 3 : index
    %get3A_753 = arith.constant 5 : index
    %get3A_754 = memref.load %arg5[%get3A_752, %get3A_753] : memref<16x12xf32, #tpu.memory_space<smem>>
    %mul3A_755 = vector.broadcast %get3A_754 : f32 to vector<512x512xf32>
    %mul3A_756 = arith.mulf %convert_element_type3A_38, %mul3A_755 : vector<512x512xf32>
    %add3A_757 = arith.addf %add3A_751, %mul3A_756 : vector<512x512xf32>
    %get3A_758 = arith.constant 4 : index
    %get3A_759 = arith.constant 5 : index
    %get3A_760 = memref.load %arg5[%get3A_758, %get3A_759] : memref<16x12xf32, #tpu.memory_space<smem>>
    %mul3A_761 = vector.broadcast %get3A_760 : f32 to vector<512x512xf32>
    %mul3A_762 = arith.mulf %convert_element_type3A_43, %mul3A_761 : vector<512x512xf32>
    %add3A_763 = arith.addf %add3A_757, %mul3A_762 : vector<512x512xf32>
    %get3A_764 = arith.constant 5 : index
    %get3A_765 = arith.constant 5 : index
    %get3A_766 = memref.load %arg5[%get3A_764, %get3A_765] : memref<16x12xf32, #tpu.memory_space<smem>>
    %mul3A_767 = vector.broadcast %get3A_766 : f32 to vector<512x512xf32>
    %mul3A_768 = arith.mulf %convert_element_type3A_48, %mul3A_767 : vector<512x512xf32>
    %add3A_769 = arith.addf %add3A_763, %mul3A_768 : vector<512x512xf32>
    %get3A_770 = arith.constant 6 : index
    %get3A_771 = arith.constant 5 : index
    %get3A_772 = memref.load %arg5[%get3A_770, %get3A_771] : memref<16x12xf32, #tpu.memory_space<smem>>
    %mul3A_773 = vector.broadcast %get3A_772 : f32 to vector<512x512xf32>
    %mul3A_774 = arith.mulf %convert_element_type3A_53, %mul3A_773 : vector<512x512xf32>
    %add3A_775 = arith.addf %add3A_769, %mul3A_774 : vector<512x512xf32>
    %get3A_776 = arith.constant 7 : index
    %get3A_777 = arith.constant 5 : index
    %get3A_778 = memref.load %arg5[%get3A_776, %get3A_777] : memref<16x12xf32, #tpu.memory_space<smem>>
    %mul3A_779 = vector.broadcast %get3A_778 : f32 to vector<512x512xf32>
    %mul3A_780 = arith.mulf %convert_element_type3A_58, %mul3A_779 : vector<512x512xf32>
    %add3A_781 = arith.addf %add3A_775, %mul3A_780 : vector<512x512xf32>
    %get3A_782 = arith.constant 8 : index
    %get3A_783 = arith.constant 5 : index
    %get3A_784 = memref.load %arg5[%get3A_782, %get3A_783] : memref<16x12xf32, #tpu.memory_space<smem>>
    %mul3A_785 = vector.broadcast %get3A_784 : f32 to vector<512x512xf32>
    %mul3A_786 = arith.mulf %convert_element_type3A_63, %mul3A_785 : vector<512x512xf32>
    %add3A_787 = arith.addf %add3A_781, %mul3A_786 : vector<512x512xf32>
    %get3A_788 = arith.constant 9 : index
    %get3A_789 = arith.constant 5 : index
    %get3A_790 = memref.load %arg5[%get3A_788, %get3A_789] : memref<16x12xf32, #tpu.memory_space<smem>>
    %mul3A_791 = vector.broadcast %get3A_790 : f32 to vector<512x512xf32>
    %mul3A_792 = arith.mulf %convert_element_type3A_68, %mul3A_791 : vector<512x512xf32>
    %add3A_793 = arith.addf %add3A_787, %mul3A_792 : vector<512x512xf32>
    %get3A_794 = arith.constant 10 : index
    %get3A_795 = arith.constant 5 : index
    %get3A_796 = memref.load %arg5[%get3A_794, %get3A_795] : memref<16x12xf32, #tpu.memory_space<smem>>
    %mul3A_797 = vector.broadcast %get3A_796 : f32 to vector<512x512xf32>
    %mul3A_798 = arith.mulf %convert_element_type3A_73, %mul3A_797 : vector<512x512xf32>
    %add3A_799 = arith.addf %add3A_793, %mul3A_798 : vector<512x512xf32>
    %get3A_800 = arith.constant 11 : index
    %get3A_801 = arith.constant 5 : index
    %get3A_802 = memref.load %arg5[%get3A_800, %get3A_801] : memref<16x12xf32, #tpu.memory_space<smem>>
    %mul3A_803 = vector.broadcast %get3A_802 : f32 to vector<512x512xf32>
    %mul3A_804 = arith.mulf %convert_element_type3A_78, %mul3A_803 : vector<512x512xf32>
    %add3A_805 = arith.addf %add3A_799, %mul3A_804 : vector<512x512xf32>
    %get3A_806 = arith.constant 12 : index
    %get3A_807 = arith.constant 5 : index
    %get3A_808 = memref.load %arg5[%get3A_806, %get3A_807] : memref<16x12xf32, #tpu.memory_space<smem>>
    %mul3A_809 = vector.broadcast %get3A_808 : f32 to vector<512x512xf32>
    %mul3A_810 = arith.mulf %convert_element_type3A_83, %mul3A_809 : vector<512x512xf32>
    %add3A_811 = arith.addf %add3A_805, %mul3A_810 : vector<512x512xf32>
    %get3A_812 = arith.constant 13 : index
    %get3A_813 = arith.constant 5 : index
    %get3A_814 = memref.load %arg5[%get3A_812, %get3A_813] : memref<16x12xf32, #tpu.memory_space<smem>>
    %mul3A_815 = vector.broadcast %get3A_814 : f32 to vector<512x512xf32>
    %mul3A_816 = arith.mulf %convert_element_type3A_88, %mul3A_815 : vector<512x512xf32>
    %add3A_817 = arith.addf %add3A_811, %mul3A_816 : vector<512x512xf32>
    %get3A_818 = arith.constant 14 : index
    %get3A_819 = arith.constant 5 : index
    %get3A_820 = memref.load %arg5[%get3A_818, %get3A_819] : memref<16x12xf32, #tpu.memory_space<smem>>
    %mul3A_821 = vector.broadcast %get3A_820 : f32 to vector<512x512xf32>
    %mul3A_822 = arith.mulf %convert_element_type3A_93, %mul3A_821 : vector<512x512xf32>
    %add3A_823 = arith.addf %add3A_817, %mul3A_822 : vector<512x512xf32>
    %get3A_824 = arith.constant 15 : index
    %get3A_825 = arith.constant 5 : index
    %get3A_826 = memref.load %arg5[%get3A_824, %get3A_825] : memref<16x12xf32, #tpu.memory_space<smem>>
    %mul3A_827 = vector.broadcast %get3A_826 : f32 to vector<512x512xf32>
    %mul3A_828 = arith.mulf %convert_element_type3A_98, %mul3A_827 : vector<512x512xf32>
    %add3A_829 = arith.addf %add3A_823, %mul3A_828 : vector<512x512xf32>
    %mul3A_830 = arith.constant 1.250000e-01 : f32
    %mul3A_831 = vector.broadcast %mul3A_830 : f32 to vector<512x512xf32>
    %mul3A_832 = arith.mulf %dot_general3A_734, %mul3A_831 : vector<512x512xf32>
    %add3A_833 = arith.addf %mul3A_832, %add3A_829 : vector<512x512xf32>
    %jit3A_834 = arith.constant -1.000000e+09 : f32
    %broadcast_in_dim3A_835 = vector.broadcast %jit3A_834 : f32 to vector<512x512xf32>
    %select_n3A_836 = arith.select %ge3A_20, %add3A_833, %broadcast_in_dim3A_835 : vector<512x512xi1>, vector<512x512xf32>
    %reduce_max3A_837 = arith.constant dense<0xFF800000> : vector<512xf32>
    %reduce_max3A_838 = vector.multi_reduction <maximumf>, %select_n3A_836, %reduce_max3A_837 [1] : vector<512x512xf32> to vector<512xf32>
    %broadcast_in_dim3A_839 = vector.shape_cast %reduce_max3A_838 : vector<512xf32> to vector<512x1xf32>
    %sub3A_840 = vector.broadcast %broadcast_in_dim3A_839 : vector<512x1xf32> to vector<512x512xf32>
    %sub3A_841 = arith.subf %select_n3A_836, %sub3A_840 : vector<512x512xf32>
    %exp3A_842 = math.exp %sub3A_841 : vector<512x512xf32>
    %reduce_sum3A_843 = arith.constant dense<0.000000e+00> : vector<512xf32>
    %reduce_sum3A_844 = vector.multi_reduction <add>, %exp3A_842, %reduce_sum3A_843 [1] : vector<512x512xf32> to vector<512xf32>
    %broadcast_in_dim3A_845 = vector.shape_cast %reduce_sum3A_844 : vector<512xf32> to vector<512x1xf32>
    %div3A_846 = arith.constant 1.000000e+00 : f32
    %div3A_847 = vector.broadcast %div3A_846 : f32 to vector<512x1xf32>
    %div3A_848 = arith.divf %div3A_847, %broadcast_in_dim3A_845 : vector<512x1xf32>
    %mul3A_849 = vector.broadcast %div3A_848 : vector<512x1xf32> to vector<512x512xf32>
    %mul3A_850 = arith.mulf %exp3A_842, %mul3A_849 : vector<512x512xf32>
    %slice3A_851 = vector.extract_strided_slice %get3A_13 {offsets = [0, 320], sizes = [512, 64], strides = [1, 1]} : vector<512x768xf32> to vector<512x64xf32>
    %dot_general3A_852 = arith.constant dense<0.000000e+00> : vector<512x64xf32>
    %dot_general3A_853 = tpu.matmul %mul3A_850, %slice3A_851, %dot_general3A_852 {dimension_numbers = #tpu.dot_dimension_numbers<[1], [0], [0], [1], [0, 0, 1, 1], [], []>, transpose_lhs_hint = false} : vector<512x512xf32>, vector<512x64xf32>, vector<512x64xf32> -> vector<512x64xf32>
    %swap3A_854 = arith.constant 0 : index
    %swap3A_855 = arith.constant 0 : index
    %swap3A_856 = arith.constant 320 : index
    %swap3A_857 = vector.load %arg7[%swap3A_854, %swap3A_855, %swap3A_856] : memref<1x512x768xf32, #tpu.memory_space<vmem>>, vector<1x512x64xf32>
    %swap3A_858 = vector.shape_cast %swap3A_857 : vector<1x512x64xf32> to vector<512x64xf32>
    %swap3A_859 = vector.shape_cast %dot_general3A_853 : vector<512x64xf32> to vector<1x512x64xf32>
    tpu.vector_store %arg7[%swap3A_854, %swap3A_855, %swap3A_856], %swap3A_859 {strides = array<i32>} : memref<1x512x768xf32, #tpu.memory_space<vmem>>, vector<1x512x64xf32>,
    %slice3A_860 = vector.extract_strided_slice %get3A_3 {offsets = [0, 384], sizes = [512, 64], strides = [1, 1]} : vector<512x768xf32> to vector<512x64xf32>
    %slice3A_861 = vector.extract_strided_slice %get3A_8 {offsets = [0, 384], sizes = [512, 64], strides = [1, 1]} : vector<512x768xf32> to vector<512x64xf32>
    %dot_general3A_862 = arith.constant dense<0.000000e+00> : vector<512x512xf32>
    %dot_general3A_863 = tpu.matmul %slice3A_860, %slice3A_861, %dot_general3A_862 {dimension_numbers = #tpu.dot_dimension_numbers<[1], [1], [0], [0], [0, 0, 1, 0], [], []>, transpose_lhs_hint = false} : vector<512x64xf32>, vector<512x64xf32>, vector<512x512xf32> -> vector<512x512xf32>
    %get3A_864 = arith.constant 0 : index
    %get3A_865 = arith.constant 6 : index
    %get3A_866 = memref.load %arg5[%get3A_864, %get3A_865] : memref<16x12xf32, #tpu.memory_space<smem>>
    %mul3A_867 = vector.broadcast %get3A_866 : f32 to vector<512x512xf32>
    %mul3A_868 = arith.mulf %convert_element_type3A_23, %mul3A_867 : vector<512x512xf32>
    %get3A_869 = arith.constant 1 : index
    %get3A_870 = arith.constant 6 : index
    %get3A_871 = memref.load %arg5[%get3A_869, %get3A_870] : memref<16x12xf32, #tpu.memory_space<smem>>
    %mul3A_872 = vector.broadcast %get3A_871 : f32 to vector<512x512xf32>
    %mul3A_873 = arith.mulf %convert_element_type3A_28, %mul3A_872 : vector<512x512xf32>
    %add3A_874 = arith.addf %mul3A_868, %mul3A_873 : vector<512x512xf32>
    %get3A_875 = arith.constant 2 : index
    %get3A_876 = arith.constant 6 : index
    %get3A_877 = memref.load %arg5[%get3A_875, %get3A_876] : memref<16x12xf32, #tpu.memory_space<smem>>
    %mul3A_878 = vector.broadcast %get3A_877 : f32 to vector<512x512xf32>
    %mul3A_879 = arith.mulf %convert_element_type3A_33, %mul3A_878 : vector<512x512xf32>
    %add3A_880 = arith.addf %add3A_874, %mul3A_879 : vector<512x512xf32>
    %get3A_881 = arith.constant 3 : index
    %get3A_882 = arith.constant 6 : index
    %get3A_883 = memref.load %arg5[%get3A_881, %get3A_882] : memref<16x12xf32, #tpu.memory_space<smem>>
    %mul3A_884 = vector.broadcast %get3A_883 : f32 to vector<512x512xf32>
    %mul3A_885 = arith.mulf %convert_element_type3A_38, %mul3A_884 : vector<512x512xf32>
    %add3A_886 = arith.addf %add3A_880, %mul3A_885 : vector<512x512xf32>
    %get3A_887 = arith.constant 4 : index
    %get3A_888 = arith.constant 6 : index
    %get3A_889 = memref.load %arg5[%get3A_887, %get3A_888] : memref<16x12xf32, #tpu.memory_space<smem>>
    %mul3A_890 = vector.broadcast %get3A_889 : f32 to vector<512x512xf32>
    %mul3A_891 = arith.mulf %convert_element_type3A_43, %mul3A_890 : vector<512x512xf32>
    %add3A_892 = arith.addf %add3A_886, %mul3A_891 : vector<512x512xf32>
    %get3A_893 = arith.constant 5 : index
    %get3A_894 = arith.constant 6 : index
    %get3A_895 = memref.load %arg5[%get3A_893, %get3A_894] : memref<16x12xf32, #tpu.memory_space<smem>>
    %mul3A_896 = vector.broadcast %get3A_895 : f32 to vector<512x512xf32>
    %mul3A_897 = arith.mulf %convert_element_type3A_48, %mul3A_896 : vector<512x512xf32>
    %add3A_898 = arith.addf %add3A_892, %mul3A_897 : vector<512x512xf32>
    %get3A_899 = arith.constant 6 : index
    %get3A_900 = arith.constant 6 : index
    %get3A_901 = memref.load %arg5[%get3A_899, %get3A_900] : memref<16x12xf32, #tpu.memory_space<smem>>
    %mul3A_902 = vector.broadcast %get3A_901 : f32 to vector<512x512xf32>
    %mul3A_903 = arith.mulf %convert_element_type3A_53, %mul3A_902 : vector<512x512xf32>
    %add3A_904 = arith.addf %add3A_898, %mul3A_903 : vector<512x512xf32>
    %get3A_905 = arith.constant 7 : index
    %get3A_906 = arith.constant 6 : index
    %get3A_907 = memref.load %arg5[%get3A_905, %get3A_906] : memref<16x12xf32, #tpu.memory_space<smem>>
    %mul3A_908 = vector.broadcast %get3A_907 : f32 to vector<512x512xf32>
    %mul3A_909 = arith.mulf %convert_element_type3A_58, %mul3A_908 : vector<512x512xf32>
    %add3A_910 = arith.addf %add3A_904, %mul3A_909 : vector<512x512xf32>
    %get3A_911 = arith.constant 8 : index
    %get3A_912 = arith.constant 6 : index
    %get3A_913 = memref.load %arg5[%get3A_911, %get3A_912] : memref<16x12xf32, #tpu.memory_space<smem>>
    %mul3A_914 = vector.broadcast %get3A_913 : f32 to vector<512x512xf32>
    %mul3A_915 = arith.mulf %convert_element_type3A_63, %mul3A_914 : vector<512x512xf32>
    %add3A_916 = arith.addf %add3A_910, %mul3A_915 : vector<512x512xf32>
    %get3A_917 = arith.constant 9 : index
    %get3A_918 = arith.constant 6 : index
    %get3A_919 = memref.load %arg5[%get3A_917, %get3A_918] : memref<16x12xf32, #tpu.memory_space<smem>>
    %mul3A_920 = vector.broadcast %get3A_919 : f32 to vector<512x512xf32>
    %mul3A_921 = arith.mulf %convert_element_type3A_68, %mul3A_920 : vector<512x512xf32>
    %add3A_922 = arith.addf %add3A_916, %mul3A_921 : vector<512x512xf32>
    %get3A_923 = arith.constant 10 : index
    %get3A_924 = arith.constant 6 : index
    %get3A_925 = memref.load %arg5[%get3A_923, %get3A_924] : memref<16x12xf32, #tpu.memory_space<smem>>
    %mul3A_926 = vector.broadcast %get3A_925 : f32 to vector<512x512xf32>
    %mul3A_927 = arith.mulf %convert_element_type3A_73, %mul3A_926 : vector<512x512xf32>
    %add3A_928 = arith.addf %add3A_922, %mul3A_927 : vector<512x512xf32>
    %get3A_929 = arith.constant 11 : index
    %get3A_930 = arith.constant 6 : index
    %get3A_931 = memref.load %arg5[%get3A_929, %get3A_930] : memref<16x12xf32, #tpu.memory_space<smem>>
    %mul3A_932 = vector.broadcast %get3A_931 : f32 to vector<512x512xf32>
    %mul3A_933 = arith.mulf %convert_element_type3A_78, %mul3A_932 : vector<512x512xf32>
    %add3A_934 = arith.addf %add3A_928, %mul3A_933 : vector<512x512xf32>
    %get3A_935 = arith.constant 12 : index
    %get3A_936 = arith.constant 6 : index
    %get3A_937 = memref.load %arg5[%get3A_935, %get3A_936] : memref<16x12xf32, #tpu.memory_space<smem>>
    %mul3A_938 = vector.broadcast %get3A_937 : f32 to vector<512x512xf32>
    %mul3A_939 = arith.mulf %convert_element_type3A_83, %mul3A_938 : vector<512x512xf32>
    %add3A_940 = arith.addf %add3A_934, %mul3A_939 : vector<512x512xf32>
    %get3A_941 = arith.constant 13 : index
    %get3A_942 = arith.constant 6 : index
    %get3A_943 = memref.load %arg5[%get3A_941, %get3A_942] : memref<16x12xf32, #tpu.memory_space<smem>>
    %mul3A_944 = vector.broadcast %get3A_943 : f32 to vector<512x512xf32>
    %mul3A_945 = arith.mulf %convert_element_type3A_88, %mul3A_944 : vector<512x512xf32>
    %add3A_946 = arith.addf %add3A_940, %mul3A_945 : vector<512x512xf32>
    %get3A_947 = arith.constant 14 : index
    %get3A_948 = arith.constant 6 : index
    %get3A_949 = memref.load %arg5[%get3A_947, %get3A_948] : memref<16x12xf32, #tpu.memory_space<smem>>
    %mul3A_950 = vector.broadcast %get3A_949 : f32 to vector<512x512xf32>
    %mul3A_951 = arith.mulf %convert_element_type3A_93, %mul3A_950 : vector<512x512xf32>
    %add3A_952 = arith.addf %add3A_946, %mul3A_951 : vector<512x512xf32>
    %get3A_953 = arith.constant 15 : index
    %get3A_954 = arith.constant 6 : index
    %get3A_955 = memref.load %arg5[%get3A_953, %get3A_954] : memref<16x12xf32, #tpu.memory_space<smem>>
    %mul3A_956 = vector.broadcast %get3A_955 : f32 to vector<512x512xf32>
    %mul3A_957 = arith.mulf %convert_element_type3A_98, %mul3A_956 : vector<512x512xf32>
    %add3A_958 = arith.addf %add3A_952, %mul3A_957 : vector<512x512xf32>
    %mul3A_959 = arith.constant 1.250000e-01 : f32
    %mul3A_960 = vector.broadcast %mul3A_959 : f32 to vector<512x512xf32>
    %mul3A_961 = arith.mulf %dot_general3A_863, %mul3A_960 : vector<512x512xf32>
    %add3A_962 = arith.addf %mul3A_961, %add3A_958 : vector<512x512xf32>
    %jit3A_963 = arith.constant -1.000000e+09 : f32
    %broadcast_in_dim3A_964 = vector.broadcast %jit3A_963 : f32 to vector<512x512xf32>
    %select_n3A_965 = arith.select %ge3A_20, %add3A_962, %broadcast_in_dim3A_964 : vector<512x512xi1>, vector<512x512xf32>
    %reduce_max3A_966 = arith.constant dense<0xFF800000> : vector<512xf32>
    %reduce_max3A_967 = vector.multi_reduction <maximumf>, %select_n3A_965, %reduce_max3A_966 [1] : vector<512x512xf32> to vector<512xf32>
    %broadcast_in_dim3A_968 = vector.shape_cast %reduce_max3A_967 : vector<512xf32> to vector<512x1xf32>
    %sub3A_969 = vector.broadcast %broadcast_in_dim3A_968 : vector<512x1xf32> to vector<512x512xf32>
    %sub3A_970 = arith.subf %select_n3A_965, %sub3A_969 : vector<512x512xf32>
    %exp3A_971 = math.exp %sub3A_970 : vector<512x512xf32>
    %reduce_sum3A_972 = arith.constant dense<0.000000e+00> : vector<512xf32>
    %reduce_sum3A_973 = vector.multi_reduction <add>, %exp3A_971, %reduce_sum3A_972 [1] : vector<512x512xf32> to vector<512xf32>
    %broadcast_in_dim3A_974 = vector.shape_cast %reduce_sum3A_973 : vector<512xf32> to vector<512x1xf32>
    %div3A_975 = arith.constant 1.000000e+00 : f32
    %div3A_976 = vector.broadcast %div3A_975 : f32 to vector<512x1xf32>
    %div3A_977 = arith.divf %div3A_976, %broadcast_in_dim3A_974 : vector<512x1xf32>
    %mul3A_978 = vector.broadcast %div3A_977 : vector<512x1xf32> to vector<512x512xf32>
    %mul3A_979 = arith.mulf %exp3A_971, %mul3A_978 : vector<512x512xf32>
    %slice3A_980 = vector.extract_strided_slice %get3A_13 {offsets = [0, 384], sizes = [512, 64], strides = [1, 1]} : vector<512x768xf32> to vector<512x64xf32>
    %dot_general3A_981 = arith.constant dense<0.000000e+00> : vector<512x64xf32>
    %dot_general3A_982 = tpu.matmul %mul3A_979, %slice3A_980, %dot_general3A_981 {dimension_numbers = #tpu.dot_dimension_numbers<[1], [0], [0], [1], [0, 0, 1, 1], [], []>, transpose_lhs_hint = false} : vector<512x512xf32>, vector<512x64xf32>, vector<512x64xf32> -> vector<512x64xf32>
    %swap3A_983 = arith.constant 0 : index
    %swap3A_984 = arith.constant 0 : index
    %swap3A_985 = arith.constant 384 : index
    %swap3A_986 = vector.load %arg7[%swap3A_983, %swap3A_984, %swap3A_985] : memref<1x512x768xf32, #tpu.memory_space<vmem>>, vector<1x512x64xf32>
    %swap3A_987 = vector.shape_cast %swap3A_986 : vector<1x512x64xf32> to vector<512x64xf32>
    %swap3A_988 = vector.shape_cast %dot_general3A_982 : vector<512x64xf32> to vector<1x512x64xf32>
    tpu.vector_store %arg7[%swap3A_983, %swap3A_984, %swap3A_985], %swap3A_988 {strides = array<i32>} : memref<1x512x768xf32, #tpu.memory_space<vmem>>, vector<1x512x64xf32>,
    %slice3A_989 = vector.extract_strided_slice %get3A_3 {offsets = [0, 448], sizes = [512, 64], strides = [1, 1]} : vector<512x768xf32> to vector<512x64xf32>
    %slice3A_990 = vector.extract_strided_slice %get3A_8 {offsets = [0, 448], sizes = [512, 64], strides = [1, 1]} : vector<512x768xf32> to vector<512x64xf32>
    %dot_general3A_991 = arith.constant dense<0.000000e+00> : vector<512x512xf32>
    %dot_general3A_992 = tpu.matmul %slice3A_989, %slice3A_990, %dot_general3A_991 {dimension_numbers = #tpu.dot_dimension_numbers<[1], [1], [0], [0], [0, 0, 1, 0], [], []>, transpose_lhs_hint = false} : vector<512x64xf32>, vector<512x64xf32>, vector<512x512xf32> -> vector<512x512xf32>
    %get3A_993 = arith.constant 0 : index
    %get3A_994 = arith.constant 7 : index
    %get3A_995 = memref.load %arg5[%get3A_993, %get3A_994] : memref<16x12xf32, #tpu.memory_space<smem>>
    %mul3A_996 = vector.broadcast %get3A_995 : f32 to vector<512x512xf32>
    %mul3A_997 = arith.mulf %convert_element_type3A_23, %mul3A_996 : vector<512x512xf32>
    %get3A_998 = arith.constant 1 : index
    %get3A_999 = arith.constant 7 : index
    %get3A_1000 = memref.load %arg5[%get3A_998, %get3A_999] : memref<16x12xf32, #tpu.memory_space<smem>>
    %mul3A_1001 = vector.broadcast %get3A_1000 : f32 to vector<512x512xf32>
    %mul3A_1002 = arith.mulf %convert_element_type3A_28, %mul3A_1001 : vector<512x512xf32>
    %add3A_1003 = arith.addf %mul3A_997, %mul3A_1002 : vector<512x512xf32>
    %get3A_1004 = arith.constant 2 : index
    %get3A_1005 = arith.constant 7 : index
    %get3A_1006 = memref.load %arg5[%get3A_1004, %get3A_1005] : memref<16x12xf32, #tpu.memory_space<smem>>
    %mul3A_1007 = vector.broadcast %get3A_1006 : f32 to vector<512x512xf32>
    %mul3A_1008 = arith.mulf %convert_element_type3A_33, %mul3A_1007 : vector<512x512xf32>
    %add3A_1009 = arith.addf %add3A_1003, %mul3A_1008 : vector<512x512xf32>
    %get3A_1010 = arith.constant 3 : index
    %get3A_1011 = arith.constant 7 : index
    %get3A_1012 = memref.load %arg5[%get3A_1010, %get3A_1011] : memref<16x12xf32, #tpu.memory_space<smem>>
    %mul3A_1013 = vector.broadcast %get3A_1012 : f32 to vector<512x512xf32>
    %mul3A_1014 = arith.mulf %convert_element_type3A_38, %mul3A_1013 : vector<512x512xf32>
    %add3A_1015 = arith.addf %add3A_1009, %mul3A_1014 : vector<512x512xf32>
    %get3A_1016 = arith.constant 4 : index
    %get3A_1017 = arith.constant 7 : index
    %get3A_1018 = memref.load %arg5[%get3A_1016, %get3A_1017] : memref<16x12xf32, #tpu.memory_space<smem>>
    %mul3A_1019 = vector.broadcast %get3A_1018 : f32 to vector<512x512xf32>
    %mul3A_1020 = arith.mulf %convert_element_type3A_43, %mul3A_1019 : vector<512x512xf32>
    %add3A_1021 = arith.addf %add3A_1015, %mul3A_1020 : vector<512x512xf32>
    %get3A_1022 = arith.constant 5 : index
    %get3A_1023 = arith.constant 7 : index
    %get3A_1024 = memref.load %arg5[%get3A_1022, %get3A_1023] : memref<16x12xf32, #tpu.memory_space<smem>>
    %mul3A_1025 = vector.broadcast %get3A_1024 : f32 to vector<512x512xf32>
    %mul3A_1026 = arith.mulf %convert_element_type3A_48, %mul3A_1025 : vector<512x512xf32>
    %add3A_1027 = arith.addf %add3A_1021, %mul3A_1026 : vector<512x512xf32>
    %get3A_1028 = arith.constant 6 : index
    %get3A_1029 = arith.constant 7 : index
    %get3A_1030 = memref.load %arg5[%get3A_1028, %get3A_1029] : memref<16x12xf32, #tpu.memory_space<smem>>
    %mul3A_1031 = vector.broadcast %get3A_1030 : f32 to vector<512x512xf32>
    %mul3A_1032 = arith.mulf %convert_element_type3A_53, %mul3A_1031 : vector<512x512xf32>
    %add3A_1033 = arith.addf %add3A_1027, %mul3A_1032 : vector<512x512xf32>
    %get3A_1034 = arith.constant 7 : index
    %get3A_1035 = arith.constant 7 : index
    %get3A_1036 = memref.load %arg5[%get3A_1034, %get3A_1035] : memref<16x12xf32, #tpu.memory_space<smem>>
    %mul3A_1037 = vector.broadcast %get3A_1036 : f32 to vector<512x512xf32>
    %mul3A_1038 = arith.mulf %convert_element_type3A_58, %mul3A_1037 : vector<512x512xf32>
    %add3A_1039 = arith.addf %add3A_1033, %mul3A_1038 : vector<512x512xf32>
    %get3A_1040 = arith.constant 8 : index
    %get3A_1041 = arith.constant 7 : index
    %get3A_1042 = memref.load %arg5[%get3A_1040, %get3A_1041] : memref<16x12xf32, #tpu.memory_space<smem>>
    %mul3A_1043 = vector.broadcast %get3A_1042 : f32 to vector<512x512xf32>
    %mul3A_1044 = arith.mulf %convert_element_type3A_63, %mul3A_1043 : vector<512x512xf32>
    %add3A_1045 = arith.addf %add3A_1039, %mul3A_1044 : vector<512x512xf32>
    %get3A_1046 = arith.constant 9 : index
    %get3A_1047 = arith.constant 7 : index
    %get3A_1048 = memref.load %arg5[%get3A_1046, %get3A_1047] : memref<16x12xf32, #tpu.memory_space<smem>>
    %mul3A_1049 = vector.broadcast %get3A_1048 : f32 to vector<512x512xf32>
    %mul3A_1050 = arith.mulf %convert_element_type3A_68, %mul3A_1049 : vector<512x512xf32>
    %add3A_1051 = arith.addf %add3A_1045, %mul3A_1050 : vector<512x512xf32>
    %get3A_1052 = arith.constant 10 : index
    %get3A_1053 = arith.constant 7 : index
    %get3A_1054 = memref.load %arg5[%get3A_1052, %get3A_1053] : memref<16x12xf32, #tpu.memory_space<smem>>
    %mul3A_1055 = vector.broadcast %get3A_1054 : f32 to vector<512x512xf32>
    %mul3A_1056 = arith.mulf %convert_element_type3A_73, %mul3A_1055 : vector<512x512xf32>
    %add3A_1057 = arith.addf %add3A_1051, %mul3A_1056 : vector<512x512xf32>
    %get3A_1058 = arith.constant 11 : index
    %get3A_1059 = arith.constant 7 : index
    %get3A_1060 = memref.load %arg5[%get3A_1058, %get3A_1059] : memref<16x12xf32, #tpu.memory_space<smem>>
    %mul3A_1061 = vector.broadcast %get3A_1060 : f32 to vector<512x512xf32>
    %mul3A_1062 = arith.mulf %convert_element_type3A_78, %mul3A_1061 : vector<512x512xf32>
    %add3A_1063 = arith.addf %add3A_1057, %mul3A_1062 : vector<512x512xf32>
    %get3A_1064 = arith.constant 12 : index
    %get3A_1065 = arith.constant 7 : index
    %get3A_1066 = memref.load %arg5[%get3A_1064, %get3A_1065] : memref<16x12xf32, #tpu.memory_space<smem>>
    %mul3A_1067 = vector.broadcast %get3A_1066 : f32 to vector<512x512xf32>
    %mul3A_1068 = arith.mulf %convert_element_type3A_83, %mul3A_1067 : vector<512x512xf32>
    %add3A_1069 = arith.addf %add3A_1063, %mul3A_1068 : vector<512x512xf32>
    %get3A_1070 = arith.constant 13 : index
    %get3A_1071 = arith.constant 7 : index
    %get3A_1072 = memref.load %arg5[%get3A_1070, %get3A_1071] : memref<16x12xf32, #tpu.memory_space<smem>>
    %mul3A_1073 = vector.broadcast %get3A_1072 : f32 to vector<512x512xf32>
    %mul3A_1074 = arith.mulf %convert_element_type3A_88, %mul3A_1073 : vector<512x512xf32>
    %add3A_1075 = arith.addf %add3A_1069, %mul3A_1074 : vector<512x512xf32>
    %get3A_1076 = arith.constant 14 : index
    %get3A_1077 = arith.constant 7 : index
    %get3A_1078 = memref.load %arg5[%get3A_1076, %get3A_1077] : memref<16x12xf32, #tpu.memory_space<smem>>
    %mul3A_1079 = vector.broadcast %get3A_1078 : f32 to vector<512x512xf32>
    %mul3A_1080 = arith.mulf %convert_element_type3A_93, %mul3A_1079 : vector<512x512xf32>
    %add3A_1081 = arith.addf %add3A_1075, %mul3A_1080 : vector<512x512xf32>
    %get3A_1082 = arith.constant 15 : index
    %get3A_1083 = arith.constant 7 : index
    %get3A_1084 = memref.load %arg5[%get3A_1082, %get3A_1083] : memref<16x12xf32, #tpu.memory_space<smem>>
    %mul3A_1085 = vector.broadcast %get3A_1084 : f32 to vector<512x512xf32>
    %mul3A_1086 = arith.mulf %convert_element_type3A_98, %mul3A_1085 : vector<512x512xf32>
    %add3A_1087 = arith.addf %add3A_1081, %mul3A_1086 : vector<512x512xf32>
    %mul3A_1088 = arith.constant 1.250000e-01 : f32
    %mul3A_1089 = vector.broadcast %mul3A_1088 : f32 to vector<512x512xf32>
    %mul3A_1090 = arith.mulf %dot_general3A_992, %mul3A_1089 : vector<512x512xf32>
    %add3A_1091 = arith.addf %mul3A_1090, %add3A_1087 : vector<512x512xf32>
    %jit3A_1092 = arith.constant -1.000000e+09 : f32
    %broadcast_in_dim3A_1093 = vector.broadcast %jit3A_1092 : f32 to vector<512x512xf32>
    %select_n3A_1094 = arith.select %ge3A_20, %add3A_1091, %broadcast_in_dim3A_1093 : vector<512x512xi1>, vector<512x512xf32>
    %reduce_max3A_1095 = arith.constant dense<0xFF800000> : vector<512xf32>
    %reduce_max3A_1096 = vector.multi_reduction <maximumf>, %select_n3A_1094, %reduce_max3A_1095 [1] : vector<512x512xf32> to vector<512xf32>
    %broadcast_in_dim3A_1097 = vector.shape_cast %reduce_max3A_1096 : vector<512xf32> to vector<512x1xf32>
    %sub3A_1098 = vector.broadcast %broadcast_in_dim3A_1097 : vector<512x1xf32> to vector<512x512xf32>
    %sub3A_1099 = arith.subf %select_n3A_1094, %sub3A_1098 : vector<512x512xf32>
    %exp3A_1100 = math.exp %sub3A_1099 : vector<512x512xf32>
    %reduce_sum3A_1101 = arith.constant dense<0.000000e+00> : vector<512xf32>
    %reduce_sum3A_1102 = vector.multi_reduction <add>, %exp3A_1100, %reduce_sum3A_1101 [1] : vector<512x512xf32> to vector<512xf32>
    %broadcast_in_dim3A_1103 = vector.shape_cast %reduce_sum3A_1102 : vector<512xf32> to vector<512x1xf32>
    %div3A_1104 = arith.constant 1.000000e+00 : f32
    %div3A_1105 = vector.broadcast %div3A_1104 : f32 to vector<512x1xf32>
    %div3A_1106 = arith.divf %div3A_1105, %broadcast_in_dim3A_1103 : vector<512x1xf32>
    %mul3A_1107 = vector.broadcast %div3A_1106 : vector<512x1xf32> to vector<512x512xf32>
    %mul3A_1108 = arith.mulf %exp3A_1100, %mul3A_1107 : vector<512x512xf32>
    %slice3A_1109 = vector.extract_strided_slice %get3A_13 {offsets = [0, 448], sizes = [512, 64], strides = [1, 1]} : vector<512x768xf32> to vector<512x64xf32>
    %dot_general3A_1110 = arith.constant dense<0.000000e+00> : vector<512x64xf32>
    %dot_general3A_1111 = tpu.matmul %mul3A_1108, %slice3A_1109, %dot_general3A_1110 {dimension_numbers = #tpu.dot_dimension_numbers<[1], [0], [0], [1], [0, 0, 1, 1], [], []>, transpose_lhs_hint = false} : vector<512x512xf32>, vector<512x64xf32>, vector<512x64xf32> -> vector<512x64xf32>
    %swap3A_1112 = arith.constant 0 : index
    %swap3A_1113 = arith.constant 0 : index
    %swap3A_1114 = arith.constant 448 : index
    %swap3A_1115 = vector.load %arg7[%swap3A_1112, %swap3A_1113, %swap3A_1114] : memref<1x512x768xf32, #tpu.memory_space<vmem>>, vector<1x512x64xf32>
    %swap3A_1116 = vector.shape_cast %swap3A_1115 : vector<1x512x64xf32> to vector<512x64xf32>
    %swap3A_1117 = vector.shape_cast %dot_general3A_1111 : vector<512x64xf32> to vector<1x512x64xf32>
    tpu.vector_store %arg7[%swap3A_1112, %swap3A_1113, %swap3A_1114], %swap3A_1117 {strides = array<i32>} : memref<1x512x768xf32, #tpu.memory_space<vmem>>, vector<1x512x64xf32>,
    %slice3A_1118 = vector.extract_strided_slice %get3A_3 {offsets = [0, 512], sizes = [512, 64], strides = [1, 1]} : vector<512x768xf32> to vector<512x64xf32>
    %slice3A_1119 = vector.extract_strided_slice %get3A_8 {offsets = [0, 512], sizes = [512, 64], strides = [1, 1]} : vector<512x768xf32> to vector<512x64xf32>
    %dot_general3A_1120 = arith.constant dense<0.000000e+00> : vector<512x512xf32>
    %dot_general3A_1121 = tpu.matmul %slice3A_1118, %slice3A_1119, %dot_general3A_1120 {dimension_numbers = #tpu.dot_dimension_numbers<[1], [1], [0], [0], [0, 0, 1, 0], [], []>, transpose_lhs_hint = false} : vector<512x64xf32>, vector<512x64xf32>, vector<512x512xf32> -> vector<512x512xf32>
    %get3A_1122 = arith.constant 0 : index
    %get3A_1123 = arith.constant 8 : index
    %get3A_1124 = memref.load %arg5[%get3A_1122, %get3A_1123] : memref<16x12xf32, #tpu.memory_space<smem>>
    %mul3A_1125 = vector.broadcast %get3A_1124 : f32 to vector<512x512xf32>
    %mul3A_1126 = arith.mulf %convert_element_type3A_23, %mul3A_1125 : vector<512x512xf32>
    %get3A_1127 = arith.constant 1 : index
    %get3A_1128 = arith.constant 8 : index
    %get3A_1129 = memref.load %arg5[%get3A_1127, %get3A_1128] : memref<16x12xf32, #tpu.memory_space<smem>>
    %mul3A_1130 = vector.broadcast %get3A_1129 : f32 to vector<512x512xf32>
    %mul3A_1131 = arith.mulf %convert_element_type3A_28, %mul3A_1130 : vector<512x512xf32>
    %add3A_1132 = arith.addf %mul3A_1126, %mul3A_1131 : vector<512x512xf32>
    %get3A_1133 = arith.constant 2 : index
    %get3A_1134 = arith.constant 8 : index
    %get3A_1135 = memref.load %arg5[%get3A_1133, %get3A_1134] : memref<16x12xf32, #tpu.memory_space<smem>>
    %mul3A_1136 = vector.broadcast %get3A_1135 : f32 to vector<512x512xf32>
    %mul3A_1137 = arith.mulf %convert_element_type3A_33, %mul3A_1136 : vector<512x512xf32>
    %add3A_1138 = arith.addf %add3A_1132, %mul3A_1137 : vector<512x512xf32>
    %get3A_1139 = arith.constant 3 : index
    %get3A_1140 = arith.constant 8 : index
    %get3A_1141 = memref.load %arg5[%get3A_1139, %get3A_1140] : memref<16x12xf32, #tpu.memory_space<smem>>
    %mul3A_1142 = vector.broadcast %get3A_1141 : f32 to vector<512x512xf32>
    %mul3A_1143 = arith.mulf %convert_element_type3A_38, %mul3A_1142 : vector<512x512xf32>
    %add3A_1144 = arith.addf %add3A_1138, %mul3A_1143 : vector<512x512xf32>
    %get3A_1145 = arith.constant 4 : index
    %get3A_1146 = arith.constant 8 : index
    %get3A_1147 = memref.load %arg5[%get3A_1145, %get3A_1146] : memref<16x12xf32, #tpu.memory_space<smem>>
    %mul3A_1148 = vector.broadcast %get3A_1147 : f32 to vector<512x512xf32>
    %mul3A_1149 = arith.mulf %convert_element_type3A_43, %mul3A_1148 : vector<512x512xf32>
    %add3A_1150 = arith.addf %add3A_1144, %mul3A_1149 : vector<512x512xf32>
    %get3A_1151 = arith.constant 5 : index
    %get3A_1152 = arith.constant 8 : index
    %get3A_1153 = memref.load %arg5[%get3A_1151, %get3A_1152] : memref<16x12xf32, #tpu.memory_space<smem>>
    %mul3A_1154 = vector.broadcast %get3A_1153 : f32 to vector<512x512xf32>
    %mul3A_1155 = arith.mulf %convert_element_type3A_48, %mul3A_1154 : vector<512x512xf32>
    %add3A_1156 = arith.addf %add3A_1150, %mul3A_1155 : vector<512x512xf32>
    %get3A_1157 = arith.constant 6 : index
    %get3A_1158 = arith.constant 8 : index
    %get3A_1159 = memref.load %arg5[%get3A_1157, %get3A_1158] : memref<16x12xf32, #tpu.memory_space<smem>>
    %mul3A_1160 = vector.broadcast %get3A_1159 : f32 to vector<512x512xf32>
    %mul3A_1161 = arith.mulf %convert_element_type3A_53, %mul3A_1160 : vector<512x512xf32>
    %add3A_1162 = arith.addf %add3A_1156, %mul3A_1161 : vector<512x512xf32>
    %get3A_1163 = arith.constant 7 : index
    %get3A_1164 = arith.constant 8 : index
    %get3A_1165 = memref.load %arg5[%get3A_1163, %get3A_1164] : memref<16x12xf32, #tpu.memory_space<smem>>
    %mul3A_1166 = vector.broadcast %get3A_1165 : f32 to vector<512x512xf32>
    %mul3A_1167 = arith.mulf %convert_element_type3A_58, %mul3A_1166 : vector<512x512xf32>
    %add3A_1168 = arith.addf %add3A_1162, %mul3A_1167 : vector<512x512xf32>
    %get3A_1169 = arith.constant 8 : index
    %get3A_1170 = arith.constant 8 : index
    %get3A_1171 = memref.load %arg5[%get3A_1169, %get3A_1170] : memref<16x12xf32, #tpu.memory_space<smem>>
    %mul3A_1172 = vector.broadcast %get3A_1171 : f32 to vector<512x512xf32>
    %mul3A_1173 = arith.mulf %convert_element_type3A_63, %mul3A_1172 : vector<512x512xf32>
    %add3A_1174 = arith.addf %add3A_1168, %mul3A_1173 : vector<512x512xf32>
    %get3A_1175 = arith.constant 9 : index
    %get3A_1176 = arith.constant 8 : index
    %get3A_1177 = memref.load %arg5[%get3A_1175, %get3A_1176] : memref<16x12xf32, #tpu.memory_space<smem>>
    %mul3A_1178 = vector.broadcast %get3A_1177 : f32 to vector<512x512xf32>
    %mul3A_1179 = arith.mulf %convert_element_type3A_68, %mul3A_1178 : vector<512x512xf32>
    %add3A_1180 = arith.addf %add3A_1174, %mul3A_1179 : vector<512x512xf32>
    %get3A_1181 = arith.constant 10 : index
    %get3A_1182 = arith.constant 8 : index
    %get3A_1183 = memref.load %arg5[%get3A_1181, %get3A_1182] : memref<16x12xf32, #tpu.memory_space<smem>>
    %mul3A_1184 = vector.broadcast %get3A_1183 : f32 to vector<512x512xf32>
    %mul3A_1185 = arith.mulf %convert_element_type3A_73, %mul3A_1184 : vector<512x512xf32>
    %add3A_1186 = arith.addf %add3A_1180, %mul3A_1185 : vector<512x512xf32>
    %get3A_1187 = arith.constant 11 : index
    %get3A_1188 = arith.constant 8 : index
    %get3A_1189 = memref.load %arg5[%get3A_1187, %get3A_1188] : memref<16x12xf32, #tpu.memory_space<smem>>
    %mul3A_1190 = vector.broadcast %get3A_1189 : f32 to vector<512x512xf32>
    %mul3A_1191 = arith.mulf %convert_element_type3A_78, %mul3A_1190 : vector<512x512xf32>
    %add3A_1192 = arith.addf %add3A_1186, %mul3A_1191 : vector<512x512xf32>
    %get3A_1193 = arith.constant 12 : index
    %get3A_1194 = arith.constant 8 : index
    %get3A_1195 = memref.load %arg5[%get3A_1193, %get3A_1194] : memref<16x12xf32, #tpu.memory_space<smem>>
    %mul3A_1196 = vector.broadcast %get3A_1195 : f32 to vector<512x512xf32>
    %mul3A_1197 = arith.mulf %convert_element_type3A_83, %mul3A_1196 : vector<512x512xf32>
    %add3A_1198 = arith.addf %add3A_1192, %mul3A_1197 : vector<512x512xf32>
    %get3A_1199 = arith.constant 13 : index
    %get3A_1200 = arith.constant 8 : index
    %get3A_1201 = memref.load %arg5[%get3A_1199, %get3A_1200] : memref<16x12xf32, #tpu.memory_space<smem>>
    %mul3A_1202 = vector.broadcast %get3A_1201 : f32 to vector<512x512xf32>
    %mul3A_1203 = arith.mulf %convert_element_type3A_88, %mul3A_1202 : vector<512x512xf32>
    %add3A_1204 = arith.addf %add3A_1198, %mul3A_1203 : vector<512x512xf32>
    %get3A_1205 = arith.constant 14 : index
    %get3A_1206 = arith.constant 8 : index
    %get3A_1207 = memref.load %arg5[%get3A_1205, %get3A_1206] : memref<16x12xf32, #tpu.memory_space<smem>>
    %mul3A_1208 = vector.broadcast %get3A_1207 : f32 to vector<512x512xf32>
    %mul3A_1209 = arith.mulf %convert_element_type3A_93, %mul3A_1208 : vector<512x512xf32>
    %add3A_1210 = arith.addf %add3A_1204, %mul3A_1209 : vector<512x512xf32>
    %get3A_1211 = arith.constant 15 : index
    %get3A_1212 = arith.constant 8 : index
    %get3A_1213 = memref.load %arg5[%get3A_1211, %get3A_1212] : memref<16x12xf32, #tpu.memory_space<smem>>
    %mul3A_1214 = vector.broadcast %get3A_1213 : f32 to vector<512x512xf32>
    %mul3A_1215 = arith.mulf %convert_element_type3A_98, %mul3A_1214 : vector<512x512xf32>
    %add3A_1216 = arith.addf %add3A_1210, %mul3A_1215 : vector<512x512xf32>
    %mul3A_1217 = arith.constant 1.250000e-01 : f32
    %mul3A_1218 = vector.broadcast %mul3A_1217 : f32 to vector<512x512xf32>
    %mul3A_1219 = arith.mulf %dot_general3A_1121, %mul3A_1218 : vector<512x512xf32>
    %add3A_1220 = arith.addf %mul3A_1219, %add3A_1216 : vector<512x512xf32>
    %jit3A_1221 = arith.constant -1.000000e+09 : f32
    %broadcast_in_dim3A_1222 = vector.broadcast %jit3A_1221 : f32 to vector<512x512xf32>
    %select_n3A_1223 = arith.select %ge3A_20, %add3A_1220, %broadcast_in_dim3A_1222 : vector<512x512xi1>, vector<512x512xf32>
    %reduce_max3A_1224 = arith.constant dense<0xFF800000> : vector<512xf32>
    %reduce_max3A_1225 = vector.multi_reduction <maximumf>, %select_n3A_1223, %reduce_max3A_1224 [1] : vector<512x512xf32> to vector<512xf32>
    %broadcast_in_dim3A_1226 = vector.shape_cast %reduce_max3A_1225 : vector<512xf32> to vector<512x1xf32>
    %sub3A_1227 = vector.broadcast %broadcast_in_dim3A_1226 : vector<512x1xf32> to vector<512x512xf32>
    %sub3A_1228 = arith.subf %select_n3A_1223, %sub3A_1227 : vector<512x512xf32>
    %exp3A_1229 = math.exp %sub3A_1228 : vector<512x512xf32>
    %reduce_sum3A_1230 = arith.constant dense<0.000000e+00> : vector<512xf32>
    %reduce_sum3A_1231 = vector.multi_reduction <add>, %exp3A_1229, %reduce_sum3A_1230 [1] : vector<512x512xf32> to vector<512xf32>
    %broadcast_in_dim3A_1232 = vector.shape_cast %reduce_sum3A_1231 : vector<512xf32> to vector<512x1xf32>
    %div3A_1233 = arith.constant 1.000000e+00 : f32
    %div3A_1234 = vector.broadcast %div3A_1233 : f32 to vector<512x1xf32>
    %div3A_1235 = arith.divf %div3A_1234, %broadcast_in_dim3A_1232 : vector<512x1xf32>
    %mul3A_1236 = vector.broadcast %div3A_1235 : vector<512x1xf32> to vector<512x512xf32>
    %mul3A_1237 = arith.mulf %exp3A_1229, %mul3A_1236 : vector<512x512xf32>
    %slice3A_1238 = vector.extract_strided_slice %get3A_13 {offsets = [0, 512], sizes = [512, 64], strides = [1, 1]} : vector<512x768xf32> to vector<512x64xf32>
    %dot_general3A_1239 = arith.constant dense<0.000000e+00> : vector<512x64xf32>
    %dot_general3A_1240 = tpu.matmul %mul3A_1237, %slice3A_1238, %dot_general3A_1239 {dimension_numbers = #tpu.dot_dimension_numbers<[1], [0], [0], [1], [0, 0, 1, 1], [], []>, transpose_lhs_hint = false} : vector<512x512xf32>, vector<512x64xf32>, vector<512x64xf32> -> vector<512x64xf32>
    %swap3A_1241 = arith.constant 0 : index
    %swap3A_1242 = arith.constant 0 : index
    %swap3A_1243 = arith.constant 512 : index
    %swap3A_1244 = vector.load %arg7[%swap3A_1241, %swap3A_1242, %swap3A_1243] : memref<1x512x768xf32, #tpu.memory_space<vmem>>, vector<1x512x64xf32>
    %swap3A_1245 = vector.shape_cast %swap3A_1244 : vector<1x512x64xf32> to vector<512x64xf32>
    %swap3A_1246 = vector.shape_cast %dot_general3A_1240 : vector<512x64xf32> to vector<1x512x64xf32>
    tpu.vector_store %arg7[%swap3A_1241, %swap3A_1242, %swap3A_1243], %swap3A_1246 {strides = array<i32>} : memref<1x512x768xf32, #tpu.memory_space<vmem>>, vector<1x512x64xf32>,
    %slice3A_1247 = vector.extract_strided_slice %get3A_3 {offsets = [0, 576], sizes = [512, 64], strides = [1, 1]} : vector<512x768xf32> to vector<512x64xf32>
    %slice3A_1248 = vector.extract_strided_slice %get3A_8 {offsets = [0, 576], sizes = [512, 64], strides = [1, 1]} : vector<512x768xf32> to vector<512x64xf32>
    %dot_general3A_1249 = arith.constant dense<0.000000e+00> : vector<512x512xf32>
    %dot_general3A_1250 = tpu.matmul %slice3A_1247, %slice3A_1248, %dot_general3A_1249 {dimension_numbers = #tpu.dot_dimension_numbers<[1], [1], [0], [0], [0, 0, 1, 0], [], []>, transpose_lhs_hint = false} : vector<512x64xf32>, vector<512x64xf32>, vector<512x512xf32> -> vector<512x512xf32>
    %get3A_1251 = arith.constant 0 : index
    %get3A_1252 = arith.constant 9 : index
    %get3A_1253 = memref.load %arg5[%get3A_1251, %get3A_1252] : memref<16x12xf32, #tpu.memory_space<smem>>
    %mul3A_1254 = vector.broadcast %get3A_1253 : f32 to vector<512x512xf32>
    %mul3A_1255 = arith.mulf %convert_element_type3A_23, %mul3A_1254 : vector<512x512xf32>
    %get3A_1256 = arith.constant 1 : index
    %get3A_1257 = arith.constant 9 : index
    %get3A_1258 = memref.load %arg5[%get3A_1256, %get3A_1257] : memref<16x12xf32, #tpu.memory_space<smem>>
    %mul3A_1259 = vector.broadcast %get3A_1258 : f32 to vector<512x512xf32>
    %mul3A_1260 = arith.mulf %convert_element_type3A_28, %mul3A_1259 : vector<512x512xf32>
    %add3A_1261 = arith.addf %mul3A_1255, %mul3A_1260 : vector<512x512xf32>
    %get3A_1262 = arith.constant 2 : index
    %get3A_1263 = arith.constant 9 : index
    %get3A_1264 = memref.load %arg5[%get3A_1262, %get3A_1263] : memref<16x12xf32, #tpu.memory_space<smem>>
    %mul3A_1265 = vector.broadcast %get3A_1264 : f32 to vector<512x512xf32>
    %mul3A_1266 = arith.mulf %convert_element_type3A_33, %mul3A_1265 : vector<512x512xf32>
    %add3A_1267 = arith.addf %add3A_1261, %mul3A_1266 : vector<512x512xf32>
    %get3A_1268 = arith.constant 3 : index
    %get3A_1269 = arith.constant 9 : index
    %get3A_1270 = memref.load %arg5[%get3A_1268, %get3A_1269] : memref<16x12xf32, #tpu.memory_space<smem>>
    %mul3A_1271 = vector.broadcast %get3A_1270 : f32 to vector<512x512xf32>
    %mul3A_1272 = arith.mulf %convert_element_type3A_38, %mul3A_1271 : vector<512x512xf32>
    %add3A_1273 = arith.addf %add3A_1267, %mul3A_1272 : vector<512x512xf32>
    %get3A_1274 = arith.constant 4 : index
    %get3A_1275 = arith.constant 9 : index
    %get3A_1276 = memref.load %arg5[%get3A_1274, %get3A_1275] : memref<16x12xf32, #tpu.memory_space<smem>>
    %mul3A_1277 = vector.broadcast %get3A_1276 : f32 to vector<512x512xf32>
    %mul3A_1278 = arith.mulf %convert_element_type3A_43, %mul3A_1277 : vector<512x512xf32>
    %add3A_1279 = arith.addf %add3A_1273, %mul3A_1278 : vector<512x512xf32>
    %get3A_1280 = arith.constant 5 : index
    %get3A_1281 = arith.constant 9 : index
    %get3A_1282 = memref.load %arg5[%get3A_1280, %get3A_1281] : memref<16x12xf32, #tpu.memory_space<smem>>
    %mul3A_1283 = vector.broadcast %get3A_1282 : f32 to vector<512x512xf32>
    %mul3A_1284 = arith.mulf %convert_element_type3A_48, %mul3A_1283 : vector<512x512xf32>
    %add3A_1285 = arith.addf %add3A_1279, %mul3A_1284 : vector<512x512xf32>
    %get3A_1286 = arith.constant 6 : index
    %get3A_1287 = arith.constant 9 : index
    %get3A_1288 = memref.load %arg5[%get3A_1286, %get3A_1287] : memref<16x12xf32, #tpu.memory_space<smem>>
    %mul3A_1289 = vector.broadcast %get3A_1288 : f32 to vector<512x512xf32>
    %mul3A_1290 = arith.mulf %convert_element_type3A_53, %mul3A_1289 : vector<512x512xf32>
    %add3A_1291 = arith.addf %add3A_1285, %mul3A_1290 : vector<512x512xf32>
    %get3A_1292 = arith.constant 7 : index
    %get3A_1293 = arith.constant 9 : index
    %get3A_1294 = memref.load %arg5[%get3A_1292, %get3A_1293] : memref<16x12xf32, #tpu.memory_space<smem>>
    %mul3A_1295 = vector.broadcast %get3A_1294 : f32 to vector<512x512xf32>
    %mul3A_1296 = arith.mulf %convert_element_type3A_58, %mul3A_1295 : vector<512x512xf32>
    %add3A_1297 = arith.addf %add3A_1291, %mul3A_1296 : vector<512x512xf32>
    %get3A_1298 = arith.constant 8 : index
    %get3A_1299 = arith.constant 9 : index
    %get3A_1300 = memref.load %arg5[%get3A_1298, %get3A_1299] : memref<16x12xf32, #tpu.memory_space<smem>>
    %mul3A_1301 = vector.broadcast %get3A_1300 : f32 to vector<512x512xf32>
    %mul3A_1302 = arith.mulf %convert_element_type3A_63, %mul3A_1301 : vector<512x512xf32>
    %add3A_1303 = arith.addf %add3A_1297, %mul3A_1302 : vector<512x512xf32>
    %get3A_1304 = arith.constant 9 : index
    %get3A_1305 = arith.constant 9 : index
    %get3A_1306 = memref.load %arg5[%get3A_1304, %get3A_1305] : memref<16x12xf32, #tpu.memory_space<smem>>
    %mul3A_1307 = vector.broadcast %get3A_1306 : f32 to vector<512x512xf32>
    %mul3A_1308 = arith.mulf %convert_element_type3A_68, %mul3A_1307 : vector<512x512xf32>
    %add3A_1309 = arith.addf %add3A_1303, %mul3A_1308 : vector<512x512xf32>
    %get3A_1310 = arith.constant 10 : index
    %get3A_1311 = arith.constant 9 : index
    %get3A_1312 = memref.load %arg5[%get3A_1310, %get3A_1311] : memref<16x12xf32, #tpu.memory_space<smem>>
    %mul3A_1313 = vector.broadcast %get3A_1312 : f32 to vector<512x512xf32>
    %mul3A_1314 = arith.mulf %convert_element_type3A_73, %mul3A_1313 : vector<512x512xf32>
    %add3A_1315 = arith.addf %add3A_1309, %mul3A_1314 : vector<512x512xf32>
    %get3A_1316 = arith.constant 11 : index
    %get3A_1317 = arith.constant 9 : index
    %get3A_1318 = memref.load %arg5[%get3A_1316, %get3A_1317] : memref<16x12xf32, #tpu.memory_space<smem>>
    %mul3A_1319 = vector.broadcast %get3A_1318 : f32 to vector<512x512xf32>
    %mul3A_1320 = arith.mulf %convert_element_type3A_78, %mul3A_1319 : vector<512x512xf32>
    %add3A_1321 = arith.addf %add3A_1315, %mul3A_1320 : vector<512x512xf32>
    %get3A_1322 = arith.constant 12 : index
    %get3A_1323 = arith.constant 9 : index
    %get3A_1324 = memref.load %arg5[%get3A_1322, %get3A_1323] : memref<16x12xf32, #tpu.memory_space<smem>>
    %mul3A_1325 = vector.broadcast %get3A_1324 : f32 to vector<512x512xf32>
    %mul3A_1326 = arith.mulf %convert_element_type3A_83, %mul3A_1325 : vector<512x512xf32>
    %add3A_1327 = arith.addf %add3A_1321, %mul3A_1326 : vector<512x512xf32>
    %get3A_1328 = arith.constant 13 : index
    %get3A_1329 = arith.constant 9 : index
    %get3A_1330 = memref.load %arg5[%get3A_1328, %get3A_1329] : memref<16x12xf32, #tpu.memory_space<smem>>
    %mul3A_1331 = vector.broadcast %get3A_1330 : f32 to vector<512x512xf32>
    %mul3A_1332 = arith.mulf %convert_element_type3A_88, %mul3A_1331 : vector<512x512xf32>
    %add3A_1333 = arith.addf %add3A_1327, %mul3A_1332 : vector<512x512xf32>
    %get3A_1334 = arith.constant 14 : index
    %get3A_1335 = arith.constant 9 : index
    %get3A_1336 = memref.load %arg5[%get3A_1334, %get3A_1335] : memref<16x12xf32, #tpu.memory_space<smem>>
    %mul3A_1337 = vector.broadcast %get3A_1336 : f32 to vector<512x512xf32>
    %mul3A_1338 = arith.mulf %convert_element_type3A_93, %mul3A_1337 : vector<512x512xf32>
    %add3A_1339 = arith.addf %add3A_1333, %mul3A_1338 : vector<512x512xf32>
    %get3A_1340 = arith.constant 15 : index
    %get3A_1341 = arith.constant 9 : index
    %get3A_1342 = memref.load %arg5[%get3A_1340, %get3A_1341] : memref<16x12xf32, #tpu.memory_space<smem>>
    %mul3A_1343 = vector.broadcast %get3A_1342 : f32 to vector<512x512xf32>
    %mul3A_1344 = arith.mulf %convert_element_type3A_98, %mul3A_1343 : vector<512x512xf32>
    %add3A_1345 = arith.addf %add3A_1339, %mul3A_1344 : vector<512x512xf32>
    %mul3A_1346 = arith.constant 1.250000e-01 : f32
    %mul3A_1347 = vector.broadcast %mul3A_1346 : f32 to vector<512x512xf32>
    %mul3A_1348 = arith.mulf %dot_general3A_1250, %mul3A_1347 : vector<512x512xf32>
    %add3A_1349 = arith.addf %mul3A_1348, %add3A_1345 : vector<512x512xf32>
    %jit3A_1350 = arith.constant -1.000000e+09 : f32
    %broadcast_in_dim3A_1351 = vector.broadcast %jit3A_1350 : f32 to vector<512x512xf32>
    %select_n3A_1352 = arith.select %ge3A_20, %add3A_1349, %broadcast_in_dim3A_1351 : vector<512x512xi1>, vector<512x512xf32>
    %reduce_max3A_1353 = arith.constant dense<0xFF800000> : vector<512xf32>
    %reduce_max3A_1354 = vector.multi_reduction <maximumf>, %select_n3A_1352, %reduce_max3A_1353 [1] : vector<512x512xf32> to vector<512xf32>
    %broadcast_in_dim3A_1355 = vector.shape_cast %reduce_max3A_1354 : vector<512xf32> to vector<512x1xf32>
    %sub3A_1356 = vector.broadcast %broadcast_in_dim3A_1355 : vector<512x1xf32> to vector<512x512xf32>
    %sub3A_1357 = arith.subf %select_n3A_1352, %sub3A_1356 : vector<512x512xf32>
    %exp3A_1358 = math.exp %sub3A_1357 : vector<512x512xf32>
    %reduce_sum3A_1359 = arith.constant dense<0.000000e+00> : vector<512xf32>
    %reduce_sum3A_1360 = vector.multi_reduction <add>, %exp3A_1358, %reduce_sum3A_1359 [1] : vector<512x512xf32> to vector<512xf32>
    %broadcast_in_dim3A_1361 = vector.shape_cast %reduce_sum3A_1360 : vector<512xf32> to vector<512x1xf32>
    %div3A_1362 = arith.constant 1.000000e+00 : f32
    %div3A_1363 = vector.broadcast %div3A_1362 : f32 to vector<512x1xf32>
    %div3A_1364 = arith.divf %div3A_1363, %broadcast_in_dim3A_1361 : vector<512x1xf32>
    %mul3A_1365 = vector.broadcast %div3A_1364 : vector<512x1xf32> to vector<512x512xf32>
    %mul3A_1366 = arith.mulf %exp3A_1358, %mul3A_1365 : vector<512x512xf32>
    %slice3A_1367 = vector.extract_strided_slice %get3A_13 {offsets = [0, 576], sizes = [512, 64], strides = [1, 1]} : vector<512x768xf32> to vector<512x64xf32>
    %dot_general3A_1368 = arith.constant dense<0.000000e+00> : vector<512x64xf32>
    %dot_general3A_1369 = tpu.matmul %mul3A_1366, %slice3A_1367, %dot_general3A_1368 {dimension_numbers = #tpu.dot_dimension_numbers<[1], [0], [0], [1], [0, 0, 1, 1], [], []>, transpose_lhs_hint = false} : vector<512x512xf32>, vector<512x64xf32>, vector<512x64xf32> -> vector<512x64xf32>
    %swap3A_1370 = arith.constant 0 : index
    %swap3A_1371 = arith.constant 0 : index
    %swap3A_1372 = arith.constant 576 : index
    %swap3A_1373 = vector.load %arg7[%swap3A_1370, %swap3A_1371, %swap3A_1372] : memref<1x512x768xf32, #tpu.memory_space<vmem>>, vector<1x512x64xf32>
    %swap3A_1374 = vector.shape_cast %swap3A_1373 : vector<1x512x64xf32> to vector<512x64xf32>
    %swap3A_1375 = vector.shape_cast %dot_general3A_1369 : vector<512x64xf32> to vector<1x512x64xf32>
    tpu.vector_store %arg7[%swap3A_1370, %swap3A_1371, %swap3A_1372], %swap3A_1375 {strides = array<i32>} : memref<1x512x768xf32, #tpu.memory_space<vmem>>, vector<1x512x64xf32>,
    %slice3A_1376 = vector.extract_strided_slice %get3A_3 {offsets = [0, 640], sizes = [512, 64], strides = [1, 1]} : vector<512x768xf32> to vector<512x64xf32>
    %slice3A_1377 = vector.extract_strided_slice %get3A_8 {offsets = [0, 640], sizes = [512, 64], strides = [1, 1]} : vector<512x768xf32> to vector<512x64xf32>
    %dot_general3A_1378 = arith.constant dense<0.000000e+00> : vector<512x512xf32>
    %dot_general3A_1379 = tpu.matmul %slice3A_1376, %slice3A_1377, %dot_general3A_1378 {dimension_numbers = #tpu.dot_dimension_numbers<[1], [1], [0], [0], [0, 0, 1, 0], [], []>, transpose_lhs_hint = false} : vector<512x64xf32>, vector<512x64xf32>, vector<512x512xf32> -> vector<512x512xf32>
    %get3A_1380 = arith.constant 0 : index
    %get3A_1381 = arith.constant 10 : index
    %get3A_1382 = memref.load %arg5[%get3A_1380, %get3A_1381] : memref<16x12xf32, #tpu.memory_space<smem>>
    %mul3A_1383 = vector.broadcast %get3A_1382 : f32 to vector<512x512xf32>
    %mul3A_1384 = arith.mulf %convert_element_type3A_23, %mul3A_1383 : vector<512x512xf32>
    %get3A_1385 = arith.constant 1 : index
    %get3A_1386 = arith.constant 10 : index
    %get3A_1387 = memref.load %arg5[%get3A_1385, %get3A_1386] : memref<16x12xf32, #tpu.memory_space<smem>>
    %mul3A_1388 = vector.broadcast %get3A_1387 : f32 to vector<512x512xf32>
    %mul3A_1389 = arith.mulf %convert_element_type3A_28, %mul3A_1388 : vector<512x512xf32>
    %add3A_1390 = arith.addf %mul3A_1384, %mul3A_1389 : vector<512x512xf32>
    %get3A_1391 = arith.constant 2 : index
    %get3A_1392 = arith.constant 10 : index
    %get3A_1393 = memref.load %arg5[%get3A_1391, %get3A_1392] : memref<16x12xf32, #tpu.memory_space<smem>>
    %mul3A_1394 = vector.broadcast %get3A_1393 : f32 to vector<512x512xf32>
    %mul3A_1395 = arith.mulf %convert_element_type3A_33, %mul3A_1394 : vector<512x512xf32>
    %add3A_1396 = arith.addf %add3A_1390, %mul3A_1395 : vector<512x512xf32>
    %get3A_1397 = arith.constant 3 : index
    %get3A_1398 = arith.constant 10 : index
    %get3A_1399 = memref.load %arg5[%get3A_1397, %get3A_1398] : memref<16x12xf32, #tpu.memory_space<smem>>
    %mul3A_1400 = vector.broadcast %get3A_1399 : f32 to vector<512x512xf32>
    %mul3A_1401 = arith.mulf %convert_element_type3A_38, %mul3A_1400 : vector<512x512xf32>
    %add3A_1402 = arith.addf %add3A_1396, %mul3A_1401 : vector<512x512xf32>
    %get3A_1403 = arith.constant 4 : index
    %get3A_1404 = arith.constant 10 : index
    %get3A_1405 = memref.load %arg5[%get3A_1403, %get3A_1404] : memref<16x12xf32, #tpu.memory_space<smem>>
    %mul3A_1406 = vector.broadcast %get3A_1405 : f32 to vector<512x512xf32>
    %mul3A_1407 = arith.mulf %convert_element_type3A_43, %mul3A_1406 : vector<512x512xf32>
    %add3A_1408 = arith.addf %add3A_1402, %mul3A_1407 : vector<512x512xf32>
    %get3A_1409 = arith.constant 5 : index
    %get3A_1410 = arith.constant 10 : index
    %get3A_1411 = memref.load %arg5[%get3A_1409, %get3A_1410] : memref<16x12xf32, #tpu.memory_space<smem>>
    %mul3A_1412 = vector.broadcast %get3A_1411 : f32 to vector<512x512xf32>
    %mul3A_1413 = arith.mulf %convert_element_type3A_48, %mul3A_1412 : vector<512x512xf32>
    %add3A_1414 = arith.addf %add3A_1408, %mul3A_1413 : vector<512x512xf32>
    %get3A_1415 = arith.constant 6 : index
    %get3A_1416 = arith.constant 10 : index
    %get3A_1417 = memref.load %arg5[%get3A_1415, %get3A_1416] : memref<16x12xf32, #tpu.memory_space<smem>>
    %mul3A_1418 = vector.broadcast %get3A_1417 : f32 to vector<512x512xf32>
    %mul3A_1419 = arith.mulf %convert_element_type3A_53, %mul3A_1418 : vector<512x512xf32>
    %add3A_1420 = arith.addf %add3A_1414, %mul3A_1419 : vector<512x512xf32>
    %get3A_1421 = arith.constant 7 : index
    %get3A_1422 = arith.constant 10 : index
    %get3A_1423 = memref.load %arg5[%get3A_1421, %get3A_1422] : memref<16x12xf32, #tpu.memory_space<smem>>
    %mul3A_1424 = vector.broadcast %get3A_1423 : f32 to vector<512x512xf32>
    %mul3A_1425 = arith.mulf %convert_element_type3A_58, %mul3A_1424 : vector<512x512xf32>
    %add3A_1426 = arith.addf %add3A_1420, %mul3A_1425 : vector<512x512xf32>
    %get3A_1427 = arith.constant 8 : index
    %get3A_1428 = arith.constant 10 : index
    %get3A_1429 = memref.load %arg5[%get3A_1427, %get3A_1428] : memref<16x12xf32, #tpu.memory_space<smem>>
    %mul3A_1430 = vector.broadcast %get3A_1429 : f32 to vector<512x512xf32>
    %mul3A_1431 = arith.mulf %convert_element_type3A_63, %mul3A_1430 : vector<512x512xf32>
    %add3A_1432 = arith.addf %add3A_1426, %mul3A_1431 : vector<512x512xf32>
    %get3A_1433 = arith.constant 9 : index
    %get3A_1434 = arith.constant 10 : index
    %get3A_1435 = memref.load %arg5[%get3A_1433, %get3A_1434] : memref<16x12xf32, #tpu.memory_space<smem>>
    %mul3A_1436 = vector.broadcast %get3A_1435 : f32 to vector<512x512xf32>
    %mul3A_1437 = arith.mulf %convert_element_type3A_68, %mul3A_1436 : vector<512x512xf32>
    %add3A_1438 = arith.addf %add3A_1432, %mul3A_1437 : vector<512x512xf32>
    %get3A_1439 = arith.constant 10 : index
    %get3A_1440 = arith.constant 10 : index
    %get3A_1441 = memref.load %arg5[%get3A_1439, %get3A_1440] : memref<16x12xf32, #tpu.memory_space<smem>>
    %mul3A_1442 = vector.broadcast %get3A_1441 : f32 to vector<512x512xf32>
    %mul3A_1443 = arith.mulf %convert_element_type3A_73, %mul3A_1442 : vector<512x512xf32>
    %add3A_1444 = arith.addf %add3A_1438, %mul3A_1443 : vector<512x512xf32>
    %get3A_1445 = arith.constant 11 : index
    %get3A_1446 = arith.constant 10 : index
    %get3A_1447 = memref.load %arg5[%get3A_1445, %get3A_1446] : memref<16x12xf32, #tpu.memory_space<smem>>
    %mul3A_1448 = vector.broadcast %get3A_1447 : f32 to vector<512x512xf32>
    %mul3A_1449 = arith.mulf %convert_element_type3A_78, %mul3A_1448 : vector<512x512xf32>
    %add3A_1450 = arith.addf %add3A_1444, %mul3A_1449 : vector<512x512xf32>
    %get3A_1451 = arith.constant 12 : index
    %get3A_1452 = arith.constant 10 : index
    %get3A_1453 = memref.load %arg5[%get3A_1451, %get3A_1452] : memref<16x12xf32, #tpu.memory_space<smem>>
    %mul3A_1454 = vector.broadcast %get3A_1453 : f32 to vector<512x512xf32>
    %mul3A_1455 = arith.mulf %convert_element_type3A_83, %mul3A_1454 : vector<512x512xf32>
    %add3A_1456 = arith.addf %add3A_1450, %mul3A_1455 : vector<512x512xf32>
    %get3A_1457 = arith.constant 13 : index
    %get3A_1458 = arith.constant 10 : index
    %get3A_1459 = memref.load %arg5[%get3A_1457, %get3A_1458] : memref<16x12xf32, #tpu.memory_space<smem>>
    %mul3A_1460 = vector.broadcast %get3A_1459 : f32 to vector<512x512xf32>
    %mul3A_1461 = arith.mulf %convert_element_type3A_88, %mul3A_1460 : vector<512x512xf32>
    %add3A_1462 = arith.addf %add3A_1456, %mul3A_1461 : vector<512x512xf32>
    %get3A_1463 = arith.constant 14 : index
    %get3A_1464 = arith.constant 10 : index
    %get3A_1465 = memref.load %arg5[%get3A_1463, %get3A_1464] : memref<16x12xf32, #tpu.memory_space<smem>>
    %mul3A_1466 = vector.broadcast %get3A_1465 : f32 to vector<512x512xf32>
    %mul3A_1467 = arith.mulf %convert_element_type3A_93, %mul3A_1466 : vector<512x512xf32>
    %add3A_1468 = arith.addf %add3A_1462, %mul3A_1467 : vector<512x512xf32>
    %get3A_1469 = arith.constant 15 : index
    %get3A_1470 = arith.constant 10 : index
    %get3A_1471 = memref.load %arg5[%get3A_1469, %get3A_1470] : memref<16x12xf32, #tpu.memory_space<smem>>
    %mul3A_1472 = vector.broadcast %get3A_1471 : f32 to vector<512x512xf32>
    %mul3A_1473 = arith.mulf %convert_element_type3A_98, %mul3A_1472 : vector<512x512xf32>
    %add3A_1474 = arith.addf %add3A_1468, %mul3A_1473 : vector<512x512xf32>
    %mul3A_1475 = arith.constant 1.250000e-01 : f32
    %mul3A_1476 = vector.broadcast %mul3A_1475 : f32 to vector<512x512xf32>
    %mul3A_1477 = arith.mulf %dot_general3A_1379, %mul3A_1476 : vector<512x512xf32>
    %add3A_1478 = arith.addf %mul3A_1477, %add3A_1474 : vector<512x512xf32>
    %jit3A_1479 = arith.constant -1.000000e+09 : f32
    %broadcast_in_dim3A_1480 = vector.broadcast %jit3A_1479 : f32 to vector<512x512xf32>
    %select_n3A_1481 = arith.select %ge3A_20, %add3A_1478, %broadcast_in_dim3A_1480 : vector<512x512xi1>, vector<512x512xf32>
    %reduce_max3A_1482 = arith.constant dense<0xFF800000> : vector<512xf32>
    %reduce_max3A_1483 = vector.multi_reduction <maximumf>, %select_n3A_1481, %reduce_max3A_1482 [1] : vector<512x512xf32> to vector<512xf32>
    %broadcast_in_dim3A_1484 = vector.shape_cast %reduce_max3A_1483 : vector<512xf32> to vector<512x1xf32>
    %sub3A_1485 = vector.broadcast %broadcast_in_dim3A_1484 : vector<512x1xf32> to vector<512x512xf32>
    %sub3A_1486 = arith.subf %select_n3A_1481, %sub3A_1485 : vector<512x512xf32>
    %exp3A_1487 = math.exp %sub3A_1486 : vector<512x512xf32>
    %reduce_sum3A_1488 = arith.constant dense<0.000000e+00> : vector<512xf32>
    %reduce_sum3A_1489 = vector.multi_reduction <add>, %exp3A_1487, %reduce_sum3A_1488 [1] : vector<512x512xf32> to vector<512xf32>
    %broadcast_in_dim3A_1490 = vector.shape_cast %reduce_sum3A_1489 : vector<512xf32> to vector<512x1xf32>
    %div3A_1491 = arith.constant 1.000000e+00 : f32
    %div3A_1492 = vector.broadcast %div3A_1491 : f32 to vector<512x1xf32>
    %div3A_1493 = arith.divf %div3A_1492, %broadcast_in_dim3A_1490 : vector<512x1xf32>
    %mul3A_1494 = vector.broadcast %div3A_1493 : vector<512x1xf32> to vector<512x512xf32>
    %mul3A_1495 = arith.mulf %exp3A_1487, %mul3A_1494 : vector<512x512xf32>
    %slice3A_1496 = vector.extract_strided_slice %get3A_13 {offsets = [0, 640], sizes = [512, 64], strides = [1, 1]} : vector<512x768xf32> to vector<512x64xf32>
    %dot_general3A_1497 = arith.constant dense<0.000000e+00> : vector<512x64xf32>
    %dot_general3A_1498 = tpu.matmul %mul3A_1495, %slice3A_1496, %dot_general3A_1497 {dimension_numbers = #tpu.dot_dimension_numbers<[1], [0], [0], [1], [0, 0, 1, 1], [], []>, transpose_lhs_hint = false} : vector<512x512xf32>, vector<512x64xf32>, vector<512x64xf32> -> vector<512x64xf32>
    %swap3A_1499 = arith.constant 0 : index
    %swap3A_1500 = arith.constant 0 : index
    %swap3A_1501 = arith.constant 640 : index
    %swap3A_1502 = vector.load %arg7[%swap3A_1499, %swap3A_1500, %swap3A_1501] : memref<1x512x768xf32, #tpu.memory_space<vmem>>, vector<1x512x64xf32>
    %swap3A_1503 = vector.shape_cast %swap3A_1502 : vector<1x512x64xf32> to vector<512x64xf32>
    %swap3A_1504 = vector.shape_cast %dot_general3A_1498 : vector<512x64xf32> to vector<1x512x64xf32>
    tpu.vector_store %arg7[%swap3A_1499, %swap3A_1500, %swap3A_1501], %swap3A_1504 {strides = array<i32>} : memref<1x512x768xf32, #tpu.memory_space<vmem>>, vector<1x512x64xf32>,
    %slice3A_1505 = vector.extract_strided_slice %get3A_3 {offsets = [0, 704], sizes = [512, 64], strides = [1, 1]} : vector<512x768xf32> to vector<512x64xf32>
    %slice3A_1506 = vector.extract_strided_slice %get3A_8 {offsets = [0, 704], sizes = [512, 64], strides = [1, 1]} : vector<512x768xf32> to vector<512x64xf32>
    %dot_general3A_1507 = arith.constant dense<0.000000e+00> : vector<512x512xf32>
    %dot_general3A_1508 = tpu.matmul %slice3A_1505, %slice3A_1506, %dot_general3A_1507 {dimension_numbers = #tpu.dot_dimension_numbers<[1], [1], [0], [0], [0, 0, 1, 0], [], []>, transpose_lhs_hint = false} : vector<512x64xf32>, vector<512x64xf32>, vector<512x512xf32> -> vector<512x512xf32>
    %get3A_1509 = arith.constant 0 : index
    %get3A_1510 = arith.constant 11 : index
    %get3A_1511 = memref.load %arg5[%get3A_1509, %get3A_1510] : memref<16x12xf32, #tpu.memory_space<smem>>
    %mul3A_1512 = vector.broadcast %get3A_1511 : f32 to vector<512x512xf32>
    %mul3A_1513 = arith.mulf %convert_element_type3A_23, %mul3A_1512 : vector<512x512xf32>
    %get3A_1514 = arith.constant 1 : index
    %get3A_1515 = arith.constant 11 : index
    %get3A_1516 = memref.load %arg5[%get3A_1514, %get3A_1515] : memref<16x12xf32, #tpu.memory_space<smem>>
    %mul3A_1517 = vector.broadcast %get3A_1516 : f32 to vector<512x512xf32>
    %mul3A_1518 = arith.mulf %convert_element_type3A_28, %mul3A_1517 : vector<512x512xf32>
    %add3A_1519 = arith.addf %mul3A_1513, %mul3A_1518 : vector<512x512xf32>
    %get3A_1520 = arith.constant 2 : index
    %get3A_1521 = arith.constant 11 : index
    %get3A_1522 = memref.load %arg5[%get3A_1520, %get3A_1521] : memref<16x12xf32, #tpu.memory_space<smem>>
    %mul3A_1523 = vector.broadcast %get3A_1522 : f32 to vector<512x512xf32>
    %mul3A_1524 = arith.mulf %convert_element_type3A_33, %mul3A_1523 : vector<512x512xf32>
    %add3A_1525 = arith.addf %add3A_1519, %mul3A_1524 : vector<512x512xf32>
    %get3A_1526 = arith.constant 3 : index
    %get3A_1527 = arith.constant 11 : index
    %get3A_1528 = memref.load %arg5[%get3A_1526, %get3A_1527] : memref<16x12xf32, #tpu.memory_space<smem>>
    %mul3A_1529 = vector.broadcast %get3A_1528 : f32 to vector<512x512xf32>
    %mul3A_1530 = arith.mulf %convert_element_type3A_38, %mul3A_1529 : vector<512x512xf32>
    %add3A_1531 = arith.addf %add3A_1525, %mul3A_1530 : vector<512x512xf32>
    %get3A_1532 = arith.constant 4 : index
    %get3A_1533 = arith.constant 11 : index
    %get3A_1534 = memref.load %arg5[%get3A_1532, %get3A_1533] : memref<16x12xf32, #tpu.memory_space<smem>>
    %mul3A_1535 = vector.broadcast %get3A_1534 : f32 to vector<512x512xf32>
    %mul3A_1536 = arith.mulf %convert_element_type3A_43, %mul3A_1535 : vector<512x512xf32>
    %add3A_1537 = arith.addf %add3A_1531, %mul3A_1536 : vector<512x512xf32>
    %get3A_1538 = arith.constant 5 : index
    %get3A_1539 = arith.constant 11 : index
    %get3A_1540 = memref.load %arg5[%get3A_1538, %get3A_1539] : memref<16x12xf32, #tpu.memory_space<smem>>
    %mul3A_1541 = vector.broadcast %get3A_1540 : f32 to vector<512x512xf32>
    %mul3A_1542 = arith.mulf %convert_element_type3A_48, %mul3A_1541 : vector<512x512xf32>
    %add3A_1543 = arith.addf %add3A_1537, %mul3A_1542 : vector<512x512xf32>
    %get3A_1544 = arith.constant 6 : index
    %get3A_1545 = arith.constant 11 : index
    %get3A_1546 = memref.load %arg5[%get3A_1544, %get3A_1545] : memref<16x12xf32, #tpu.memory_space<smem>>
    %mul3A_1547 = vector.broadcast %get3A_1546 : f32 to vector<512x512xf32>
    %mul3A_1548 = arith.mulf %convert_element_type3A_53, %mul3A_1547 : vector<512x512xf32>
    %add3A_1549 = arith.addf %add3A_1543, %mul3A_1548 : vector<512x512xf32>
    %get3A_1550 = arith.constant 7 : index
    %get3A_1551 = arith.constant 11 : index
    %get3A_1552 = memref.load %arg5[%get3A_1550, %get3A_1551] : memref<16x12xf32, #tpu.memory_space<smem>>
    %mul3A_1553 = vector.broadcast %get3A_1552 : f32 to vector<512x512xf32>
    %mul3A_1554 = arith.mulf %convert_element_type3A_58, %mul3A_1553 : vector<512x512xf32>
    %add3A_1555 = arith.addf %add3A_1549, %mul3A_1554 : vector<512x512xf32>
    %get3A_1556 = arith.constant 8 : index
    %get3A_1557 = arith.constant 11 : index
    %get3A_1558 = memref.load %arg5[%get3A_1556, %get3A_1557] : memref<16x12xf32, #tpu.memory_space<smem>>
    %mul3A_1559 = vector.broadcast %get3A_1558 : f32 to vector<512x512xf32>
    %mul3A_1560 = arith.mulf %convert_element_type3A_63, %mul3A_1559 : vector<512x512xf32>
    %add3A_1561 = arith.addf %add3A_1555, %mul3A_1560 : vector<512x512xf32>
    %get3A_1562 = arith.constant 9 : index
    %get3A_1563 = arith.constant 11 : index
    %get3A_1564 = memref.load %arg5[%get3A_1562, %get3A_1563] : memref<16x12xf32, #tpu.memory_space<smem>>
    %mul3A_1565 = vector.broadcast %get3A_1564 : f32 to vector<512x512xf32>
    %mul3A_1566 = arith.mulf %convert_element_type3A_68, %mul3A_1565 : vector<512x512xf32>
    %add3A_1567 = arith.addf %add3A_1561, %mul3A_1566 : vector<512x512xf32>
    %get3A_1568 = arith.constant 10 : index
    %get3A_1569 = arith.constant 11 : index
    %get3A_1570 = memref.load %arg5[%get3A_1568, %get3A_1569] : memref<16x12xf32, #tpu.memory_space<smem>>
    %mul3A_1571 = vector.broadcast %get3A_1570 : f32 to vector<512x512xf32>
    %mul3A_1572 = arith.mulf %convert_element_type3A_73, %mul3A_1571 : vector<512x512xf32>
    %add3A_1573 = arith.addf %add3A_1567, %mul3A_1572 : vector<512x512xf32>
    %get3A_1574 = arith.constant 11 : index
    %get3A_1575 = arith.constant 11 : index
    %get3A_1576 = memref.load %arg5[%get3A_1574, %get3A_1575] : memref<16x12xf32, #tpu.memory_space<smem>>
    %mul3A_1577 = vector.broadcast %get3A_1576 : f32 to vector<512x512xf32>
    %mul3A_1578 = arith.mulf %convert_element_type3A_78, %mul3A_1577 : vector<512x512xf32>
    %add3A_1579 = arith.addf %add3A_1573, %mul3A_1578 : vector<512x512xf32>
    %get3A_1580 = arith.constant 12 : index
    %get3A_1581 = arith.constant 11 : index
    %get3A_1582 = memref.load %arg5[%get3A_1580, %get3A_1581] : memref<16x12xf32, #tpu.memory_space<smem>>
    %mul3A_1583 = vector.broadcast %get3A_1582 : f32 to vector<512x512xf32>
    %mul3A_1584 = arith.mulf %convert_element_type3A_83, %mul3A_1583 : vector<512x512xf32>
    %add3A_1585 = arith.addf %add3A_1579, %mul3A_1584 : vector<512x512xf32>
    %get3A_1586 = arith.constant 13 : index
    %get3A_1587 = arith.constant 11 : index
    %get3A_1588 = memref.load %arg5[%get3A_1586, %get3A_1587] : memref<16x12xf32, #tpu.memory_space<smem>>
    %mul3A_1589 = vector.broadcast %get3A_1588 : f32 to vector<512x512xf32>
    %mul3A_1590 = arith.mulf %convert_element_type3A_88, %mul3A_1589 : vector<512x512xf32>
    %add3A_1591 = arith.addf %add3A_1585, %mul3A_1590 : vector<512x512xf32>
    %get3A_1592 = arith.constant 14 : index
    %get3A_1593 = arith.constant 11 : index
    %get3A_1594 = memref.load %arg5[%get3A_1592, %get3A_1593] : memref<16x12xf32, #tpu.memory_space<smem>>
    %mul3A_1595 = vector.broadcast %get3A_1594 : f32 to vector<512x512xf32>
    %mul3A_1596 = arith.mulf %convert_element_type3A_93, %mul3A_1595 : vector<512x512xf32>
    %add3A_1597 = arith.addf %add3A_1591, %mul3A_1596 : vector<512x512xf32>
    %get3A_1598 = arith.constant 15 : index
    %get3A_1599 = arith.constant 11 : index
    %get3A_1600 = memref.load %arg5[%get3A_1598, %get3A_1599] : memref<16x12xf32, #tpu.memory_space<smem>>
    %mul3A_1601 = vector.broadcast %get3A_1600 : f32 to vector<512x512xf32>
    %mul3A_1602 = arith.mulf %convert_element_type3A_98, %mul3A_1601 : vector<512x512xf32>
    %add3A_1603 = arith.addf %add3A_1597, %mul3A_1602 : vector<512x512xf32>
    %mul3A_1604 = arith.constant 1.250000e-01 : f32
    %mul3A_1605 = vector.broadcast %mul3A_1604 : f32 to vector<512x512xf32>
    %mul3A_1606 = arith.mulf %dot_general3A_1508, %mul3A_1605 : vector<512x512xf32>
    %add3A_1607 = arith.addf %mul3A_1606, %add3A_1603 : vector<512x512xf32>
    %jit3A_1608 = arith.constant -1.000000e+09 : f32
    %broadcast_in_dim3A_1609 = vector.broadcast %jit3A_1608 : f32 to vector<512x512xf32>
    %select_n3A_1610 = arith.select %ge3A_20, %add3A_1607, %broadcast_in_dim3A_1609 : vector<512x512xi1>, vector<512x512xf32>
    %reduce_max3A_1611 = arith.constant dense<0xFF800000> : vector<512xf32>
    %reduce_max3A_1612 = vector.multi_reduction <maximumf>, %select_n3A_1610, %reduce_max3A_1611 [1] : vector<512x512xf32> to vector<512xf32>
    %broadcast_in_dim3A_1613 = vector.shape_cast %reduce_max3A_1612 : vector<512xf32> to vector<512x1xf32>
    %sub3A_1614 = vector.broadcast %broadcast_in_dim3A_1613 : vector<512x1xf32> to vector<512x512xf32>
    %sub3A_1615 = arith.subf %select_n3A_1610, %sub3A_1614 : vector<512x512xf32>
    %exp3A_1616 = math.exp %sub3A_1615 : vector<512x512xf32>
    %reduce_sum3A_1617 = arith.constant dense<0.000000e+00> : vector<512xf32>
    %reduce_sum3A_1618 = vector.multi_reduction <add>, %exp3A_1616, %reduce_sum3A_1617 [1] : vector<512x512xf32> to vector<512xf32>
    %broadcast_in_dim3A_1619 = vector.shape_cast %reduce_sum3A_1618 : vector<512xf32> to vector<512x1xf32>
    %div3A_1620 = arith.constant 1.000000e+00 : f32
    %div3A_1621 = vector.broadcast %div3A_1620 : f32 to vector<512x1xf32>
    %div3A_1622 = arith.divf %div3A_1621, %broadcast_in_dim3A_1619 : vector<512x1xf32>
    %mul3A_1623 = vector.broadcast %div3A_1622 : vector<512x1xf32> to vector<512x512xf32>
    %mul3A_1624 = arith.mulf %exp3A_1616, %mul3A_1623 : vector<512x512xf32>
    %slice3A_1625 = vector.extract_strided_slice %get3A_13 {offsets = [0, 704], sizes = [512, 64], strides = [1, 1]} : vector<512x768xf32> to vector<512x64xf32>
    %dot_general3A_1626 = arith.constant dense<0.000000e+00> : vector<512x64xf32>
    %dot_general3A_1627 = tpu.matmul %mul3A_1624, %slice3A_1625, %dot_general3A_1626 {dimension_numbers = #tpu.dot_dimension_numbers<[1], [0], [0], [1], [0, 0, 1, 1], [], []>, transpose_lhs_hint = false} : vector<512x512xf32>, vector<512x64xf32>, vector<512x64xf32> -> vector<512x64xf32>
    %swap3A_1628 = arith.constant 0 : index
    %swap3A_1629 = arith.constant 0 : index
    %swap3A_1630 = arith.constant 704 : index
    %swap3A_1631 = vector.load %arg7[%swap3A_1628, %swap3A_1629, %swap3A_1630] : memref<1x512x768xf32, #tpu.memory_space<vmem>>, vector<1x512x64xf32>
    %swap3A_1632 = vector.shape_cast %swap3A_1631 : vector<1x512x64xf32> to vector<512x64xf32>
    %swap3A_1633 = vector.shape_cast %dot_general3A_1627 : vector<512x64xf32> to vector<1x512x64xf32>
    tpu.vector_store %arg7[%swap3A_1628, %swap3A_1629, %swap3A_1630], %swap3A_1633 {strides = array<i32>} : memref<1x512x768xf32, #tpu.memory_space<vmem>>, vector<1x512x64xf32>,
    return
  }
  func.func @transform_0(%arg0: i32, %arg1: i32) -> (i32, i32, i32) {
    %c0_i32 = arith.constant 0 : i32
    %c0_i32_0 = arith.constant 0 : i32
    return %arg0, %arg1, %c0_i32 : i32, i32, i32
  }
  func.func @transform_1(%arg0: i32, %arg1: i32) -> (i32, i32, i32) {
    %c0_i32 = arith.constant 0 : i32
    %c0_i32_0 = arith.constant 0 : i32
    %c0_i32_1 = arith.constant 0 : i32
    return %arg0, %c0_i32, %c0_i32_0 : i32, i32, i32
  }
  func.func @transform_2(%arg0: i32, %arg1: i32) -> (i32, i32, i32) {
    %c0_i32 = arith.constant 0 : i32
    %c0_i32_0 = arith.constant 0 : i32
    %c0_i32_1 = arith.constant 0 : i32
    return %arg0, %c0_i32, %c0_i32_0 : i32, i32, i32
  }
  func.func @transform_3(%arg0: i32, %arg1: i32) -> (i32, i32) {
    %c0_i32 = arith.constant 0 : i32
    %c0_i32_0 = arith.constant 0 : i32
    %c0_i32_1 = arith.constant 0 : i32
    return %c0_i32, %c0_i32_0 : i32, i32
  }
  func.func @transform_4(%arg0: i32, %arg1: i32) -> (i32, i32, i32) {
    %c0_i32 = arith.constant 0 : i32
    %c0_i32_0 = arith.constant 0 : i32
    return %arg0, %arg1, %c0_i32 : i32, i32, i32
  }
  func.func @transform_5(%arg0: i32, %arg1: i32) -> (i32, i32, i32) {
    %c0_i32 = arith.constant 0 : i32
    %c0_i32_0 = arith.constant 0 : i32
    return %arg0, %arg1, %c0_i32 : i32, i32, i32
  }
}

</mosaic_0001>

<sc_bundles>
// kernel: kernel.5.cloned.1.call-start
scs
__scs_entry_jumppad:
0x0: {  	(pc) =	sbr.rel $0x88, $3  }
0x1: {  	(tag) =	ssettag $0x0;
	lr =	simm.s32 $0x1  }
0x2: {  	[smem:$0x3F98] =	sst lr;
	_ =	strace $0xD0000000  }
0x3: {  	_ = 	snop  }
0x4: {  	_ = 	snop  }
0x5: {  	_ = 	snop  }
0x6: {  	_ = 	snop  }
0x7: {  	_ = 	snop  }
__scs_overlays_trampoline_lowered:
0x8: {  	[smem:$0x3FA7] =	sst s0  }
0x9: {  	[smem:$0x3FA8] =	sst s1  }
0xa: {  	[smem:$0x3FA9] =	sst s2  }
0xb: {  	[smem:$0x3FAA] =	sst s3  }
0xc: {  	[smem:$0x3FAB] =	sst s4  }
0xd: {  	[smem:$0x3FAC] =	sst s5  }
0xe: {  	[smem:$0x3FAD] =	sst s6  }
0xf: {  	[smem:$0x3FAE] =	sst s7  }
0x10: {  	[smem:$0x3FAF] =	sst s8  }
0x11: {  	[smem:$0x3FB0] =	sst s9;
	s0 =	simm.s32 @!p0 $0x0  }
0x12: {  	s1 =	sld [smem:$0x3F96];
	s0 =	simm.s32 @p0 $0x1  }
0x13: {  	[smem:$0x3FB1] =	sst s0;
	s0 =	simm.s32 @!p1 $0x0  }
0x14: {  	s2 =	sld [smem:$0x3F95];
	s0 =	simm.s32 @p1 $0x1  }
0x15: {  	[smem:$0x3FB2] =	sst s0;
	s0 =	simm.s32 @!p2 $0x0  }
0x16: {  	s3 =	sld [smem:$0x3FDB];
	s0 =	simm.s32 @p2 $0x1  }
0x17: {  	s4 =	simm.s32 $0x1BF5;
	[smem:$0x3FB4] =	sst s0  }
0x18: {  	s0 =	sld [smem:$0x3F97];
	_ =	swait.ge [sflag:s4], $0x0  }
0x19: {  	s7 =	sld [smem:$0x3F98]  }
0x1a: {  	s8 =	sadd.s32 $0xFFFFE003, lr  }
0x1b: {  	s9 =	sadd.s32 $0xFFFFFEF7, lr;
	s5 =	simm.s32 $0xFFFFFFFF;
	p2 =	slt.u32 s8, $0xFFFFF086  }
0x1c: {  	p1 =	slt.u32 s9, $0xF7A;
	s5 =	simm.s32 @!p2 $0x0  }
0x1d: {  	s5 =	simm.s32 @p1 $0x1;
	p0 =	seq.s32 s7, s2  }
0x1e: {  	s7 =	smul.u32 @!p0 $0xF7A, s2;
	p2 =	seq.s32 @!p0 s5, $0x0  }
0x1f: {  	s9 =	smul.u32 $0xF7A, s1;
	s8 =	simm.s32 @!p0 $0x1BF5;
	p2 =	por !p2, p0  }
0x20: {  	[sflag:s8] =	ssyncset.s32 @!p0 $0xFFFFF086;
	s6 =	sadd.s32 @!p0 s3, s7;
	s7 =	simm.s32 @!p0 $0x108  }
0x21: {  	s3 =	sadd.s32 s3, s9;
	s6 =	sadd.s32 @!p0 $0x88, s6;
	s7 =	simm.s32 @p2 $0x1082  }
0x22: {  	[simem:s7], [sflag:s8] =	dma.local @!p0 [hbm:s6], $0xF7A  }
0x23: {  	s9 =	sor.u32 $0xD0000000, s2;
	s6 =	simm.s32 $0x108;
	_ =	swait.ge @!p0 [sflag:s8], $0x0  }
0x24: {  	s3 =	sadd.s32 $0x88, s3;
	s6 =	simm.s32 @!p1 $0x1082;
	[sflag:s4] =	ssyncset.s32 $0xFFFFF086  }
0x25: {  	[simem:s6], [sflag:s4] =	dma.local [hbm:s3], $0xF7A  }
0x26: {  	[smem:$0x3F98] =	sst s1;
	(tag) =	ssettag s2;
	_ =	strace s9  }
0x27: {  	s1 =	sld [smem:$0x3FA8]  }
0x28: {  	s2 =	sld [smem:$0x3FA9]  }
0x29: {  	s4 =	sld [smem:$0x3FAB]  }
0x2a: {  	p0 =	seq.s32 s5, $0x0;
	s5 =	sld [smem:$0x3FAC]  }
0x2b: {  	s6 =	sld [smem:$0x3FAD]  }
0x2c: {  	s7 =	sld [smem:$0x3FAE]  }
0x2d: {  	s3 =	simm.s32 $0x108;
	s8 =	sld [smem:$0x3FAF]  }
0x2e: {  	s3 =	simm.s32 @!p0 $0x1082;
	s9 =	sld [smem:$0x3FB0]  }
0x2f: {  	lr =	sadd.s32 s0, s3;
	s0 =	sld [smem:$0x3FA7]  }
0x30: {  	s3 =	sld [smem:$0x3FAA]  }
0x31: {  	[smem:$0x3FB3] =	sst s10  }
0x32: {  	s10 =	sld [smem:$0x3FB1];
	_ =	sdelay $0x3  }
0x33: {  	p0 =	seq.s32 s10, $0x1;
	s10 =	sld [smem:$0x3FB3];
	_ =	sdelay $0x3  }
0x34: {  	[smem:$0x3FB3] =	sst s10  }
0x35: {  	s10 =	sld [smem:$0x3FB2];
	_ =	sdelay $0x3  }
0x36: {  	p1 =	seq.s32 s10, $0x1;
	s10 =	sld [smem:$0x3FB3];
	_ =	sdelay $0x3  }
0x37: {  	[smem:$0x3FB3] =	sst s10  }
0x38: {  	s10 =	sld [smem:$0x3FB4]  }
0x39: {  	_ = 	snop;
	(pc) =	sbr.ind lr, $3  }
0x3a: {  	_ = 	snop  }
0x3b: {  	_ = 	snop  }
0x3c: {  	p2 =	seq.s32 s10, $0x1;
	s10 =	sld [smem:$0x3FB3]  }
0x3d: {  	_ =	shalt  }
0x3e: {  	_ =	shalt  }
0x3f: {  	_ =	shalt  }
0x40: {  	_ =	shalt  }
0x41: {  	_ =	shalt  }
0x42: {  	_ =	shalt  }
0x43: {  	_ =	shalt  }
0x44: {  	_ =	shalt  }
0x45: {  	_ =	shalt  }
0x46: {  	_ =	shalt  }
0x47: {  	_ =	shalt  }
0x48: {  	_ =	shalt  }
0x49: {  	_ =	shalt  }
0x4a: {  	_ =	shalt  }
0x4b: {  	_ =	shalt  }
0x4c: {  	_ =	shalt  }
0x4d: {  	_ =	shalt  }
0x4e: {  	_ =	shalt  }
0x4f: {  	_ =	shalt  }
0x50: {  	_ =	shalt  }
0x51: {  	_ =	shalt  }
0x52: {  	_ =	shalt  }
0x53: {  	_ =	shalt  }
0x54: {  	_ =	shalt  }
0x55: {  	_ =	shalt  }
0x56: {  	_ =	shalt  }
0x57: {  	_ =	shalt  }
0x58: {  	_ =	shalt  }
0x59: {  	_ =	shalt  }
0x5a: {  	_ =	shalt  }
0x5b: {  	_ =	shalt  }
0x5c: {  	_ =	shalt  }
0x5d: {  	_ =	shalt  }
0x5e: {  	_ =	shalt  }
0x5f: {  	_ =	shalt  }
0x60: {  	_ =	shalt  }
0x61: {  	_ =	shalt  }
0x62: {  	_ =	shalt  }
0x63: {  	_ =	shalt  }
0x64: {  	_ =	shalt  }
0x65: {  	_ =	shalt  }
0x66: {  	_ =	shalt  }
0x67: {  	_ =	shalt  }
0x68: {  	_ =	shalt  }
0x69: {  	_ =	shalt  }
0x6a: {  	_ =	shalt  }
0x6b: {  	_ =	shalt  }
0x6c: {  	_ =	shalt  }
0x6d: {  	_ =	shalt  }
0x6e: {  	_ =	shalt  }
0x6f: {  	_ =	shalt  }
0x70: {  	_ =	shalt  }
0x71: {  	_ =	shalt  }
0x72: {  	_ =	shalt  }
0x73: {  	_ =	shalt  }
0x74: {  	_ =	shalt  }
0x75: {  	_ =	shalt  }
0x76: {  	_ =	shalt  }
0x77: {  	_ =	shalt  }
0x78: {  	_ =	shalt  }
0x79: {  	_ =	shalt  }
0x7a: {  	_ =	shalt  }
0x7b: {  	_ =	shalt  }
0x7c: {  	_ =	shalt  }
0x7d: {  	_ =	shalt  }
0x7e: {  	_ =	shalt  }
0x7f: {  	_ =	shalt  }
0x80: {  	_ =	shalt  }
0x81: {  	_ =	shalt  }
0x82: {  	_ =	shalt  }
0x83: {  	_ =	shalt  }
0x84: {  	_ =	shalt  }
0x85: {  	_ =	shalt  }
0x86: {  	_ =	shalt  }
0x87: {  	_ =	shalt  }
.Lfunc_end0:
.L_simem_size_0:
called_computation_lowered:
.L_overlay_start_0:
0x88: {  	s2 =	sld [smem:$0x3FD9]  }
0x89: {  	s3 =	sld [smem:$0x3FFE];
	_ =	sdelay $0x1  }
0x8a: {  	s1 =	srdreg.scid  }
0x8b: {  	s0 =	sand.u32 $0x1, s1  }
0x8c: {  	s17 =	sshll.u32 s0, $0xA;
	s2 =	sadd.s32 s3, s2  }
0x8d: {  	s2 =	sadd.s32 s2, s17  }
0x8e: {  	[smem:$0x3FBF] =	sst s2  }
0x8f: {  	_ = 	snop  }
0x90: {  	s2 =	sld [smem:$0x3FD0];
	(tm) =	ssettm $0x1  }
0x91: {  	s18 =	sld [smem:$0x3FFB];
	_ =	sdelay $0x3  }
0x92: {  	_ =	strace s18  }
0x93: {  	s3 =	sld [smem:$0x3FFC];
	_ =	sdelay $0x3  }
0x94: {  	_ =	strace s3  }
0x95: {  	s3 =	sld [smem:$0x3FFD];
	_ =	sdelay $0x3  }
0x96: {  	_ =	strace s3  }
0x97: {  	_ =	strace $0x8FFFFFFF  }
0x98: {  	s19 =	sld [smem:$0x3FDB];
	_ =	sdelay $0x1  }
0x99: {  	s4 =	simm.s32 $_scs_section_size  }
0x9a: {  	s5 =	simm.s32 $_size__tile_overlayer_lowered;
	s6 =	simm.s32 $_tile_overlayer_lowered  }
0x9b: {  	s22 =	simm.s32 $0x1BFF;
	s21 =	sshll.u32 s6, $0x1;
	s3 =	sadd.s32 s4, s19  }
0x9c: {  	s7 =	simm.s32 $0x0;
	s20 =	sshll.u32 s5, $0x1;
	s5 =	sadd.s32 s21, s3  }
0x9d: {  	[timem:s7], [sflag:s22] =	dma.local [hbm:s5], s20  }
0x9e: {  	_ =	swait.ge [sflag:s22], s20  }
0x9f: {  	s4 =	ssub.s32 $0x0, s20;
	[sflag:s22] =	ssyncset.done $0x0  }
0xa0: {  	[sflag:s22] =	ssyncadd.s32 s4;
	_ =	sdelay $0x1  }
0xa1: {  	s23 =	simm.s32 $0x1B8B  }
0xa2: {  	_ =	swait.ge [sflag:s23], $0x1  }
0xa3: {  	[sflag:s23] =	ssyncset.done $0x0  }
0xa4: {  	s25 =	simm.s32 $0x1B8E;
	s24 =	sld [smem:$0x3FFE];
	[sflag:s23] =	ssyncadd.s32 $0xFFFFFFFF  }
0xa5: {  	s26 =	simm.s32 $execute0_lowered;
	[smem:$0x3FD2] =	sst s25  }
0xa6: {  	s5 =	sshll.u32 s26, $0x1;
	_ =	strace $0x80000046;
	[dreg:$0x1] =	wrdreg $0xFFFFFFFF  }
0xa7: {  	s28 =	simm.s32 $_size_execute0_lowered;
	s3 =	sadd.s32 s3, s5;
	[dreg:$0x0] =	wrdreg $0x0  }
0xa8: {  	s5 =	sshll.u32 s28, $0x1;
	[dreg:$0x2] =	wrdreg s3  }
0xa9: {  	[dreg:$0x3] =	wrdreg s5  }
0xaa: {  	[dreg:$0x4] =	wrdreg $0xC0  }
0xab: {  	_ =	task [dreg:s7], $0x5FFFF  }
0xac: {  	[dreg:$0x1] =	wrdreg $0xFFFFFFFF  }
0xad: {  	[dreg:$0x0] =	wrdreg $0x60  }
0xae: {  	[dreg:$0x2] =	wrdreg s24  }
0xaf: {  	[dreg:$0x3] =	wrdreg s2  }
0xb0: {  	[dreg:$0x4] =	wrdreg $0x80000  }
0xb1: {  	[dreg:$0x5] =	wrdreg $0x9  }
0xb2: {  	_ =	task.clear_ibuf [dreg:s7], $0x6FFFF;
	_ =	strace $0x90000046  }
0xb3: {  	s29 =	simm.s32 $0x9;
	_ =	strace $0x80000048  }
0xb4: {  	_ =	swait.ge [sflag:s29], $0x1  }
0xb5: {  	[sflag:s29] =	ssyncadd.s32 $0xFFFFFFFF  }
0xb6: {  	_ =	strace $0x90000048  }
0xb7: {  	_ =	sfence  }
0xb8: {  	s30 =	sld [smem:$0x0];
	_ =	sdelay $0x2  }
0xb9: {  	s31 =	sshll.u32 s1, $0xD;
	s1 =	sshrl.u32 s1, $0x2  }
0xba: {  	s3 =	sand.u32 $0x4000, s31;
	s1 =	sadd.s32 s1, s30  }
0xbb: {  	s0 =	sor.u32 s3, s0;
	s1 =	sshll.u32 s1, $0x11  }
0xbc: {  	s0 =	sor.u32 s1, s0  }
0xbd: {  	s0 =	sadd.s32 $0x8F2B, s0  }
0xbe: {  	[sflag:s0] =	ssyncadd.remote.s32 $0x1  }
0xbf: {  	_ =	sfence.sel $0xFFFF  }
0xc0: {  	[dreg:$0x0] =	wrdreg $0xFFFFFFFF;
	(pc) =	sbr.abs _section_cstart, $3  }
0xc1: {  	[dreg:$0x1] =	wrdreg $0xFFFFFFFF  }
0xc2: {  	_ =	task.clear_ibuf [dreg:s7], $0x2FFFF;
	_ =	strace $0x9FFFFFFF  }
0xc3: {  	(tm) =	ssettm $0x7FFFFFFF  }
tec
execute0_lowered:
.L_overlay_start_1:
0x0: {  	(tag) =	ssettag $0x1  }
0x1: {  	s4 =	rddreg [dreg:$0x0]  }
0x2: {  	s12 =	rddreg [dreg:$0x1]  }
0x3: {  	s1 =	rddreg [dreg:$0x2]  }
0x4: {  	s2 =	srdreg.scid;
	s0 =	rddreg [dreg:$0x3];
	s3 =	simm.s32 $0x0  }
0x5: {  	s15 =	simm.s32 $0x1000;
	s16 =	simm.s32 $0x2000;
	s17 =	simm.s32 $0x3000  }
0x6: {  	s18 =	simm.s32 $0x6000;
	s19 =	simm.s32 $0x80;
	s22 =	simm.s32 $0x0  }
0x7: {  	s20 =	sand.u32 $0x1, s2;
	s2 =	stileid.u32;
	[smem:$0x7FF] =	sst s3  }
0x8: {  	s5 =	ssub.s32 $0x2, s20;
	s6 =	sshll.u32 s2, $0x9;
	_ =	strace $0x80000047  }
0x9: {  	s10 =	sshll.u32 s2, $0xF;
	s11 =	sshll.u32 s20, $0x13;
	s21 =	sshll.u32 s2, $0x6  }
0xa: {  	s7 =	sshrl.u32 s5, $0x1;
	s8 =	sadd.s32 s6, s4;
	s14 =	sor.u32 s10, s11  }
0xb: {  	v0 =	vmov s20;
	s20 =	sor.u32 $0x1C01, s21;
	s13 =	ssub.s32 s5, s7;
	s4 =	sadd.s32 $0x7E00, s8  }
0xc: {  	s5 =	sadd.s32 $0x5E00, s8;
	s6 =	sadd.s32 $0x3E00, s8;
	s7 =	sadd.s32 s10, s1  }
0xd: {  	s8 =	sadd.s32 $0x1E00, s8;
	s14 =	sshrl.u32 s14, $0x3;
	s9 =	sadd.s32 $0x2000, s7  }
0xe: {  	s10 =	sadd.s32 $0x4000, s7;
	s11 =	sadd.s32 $0x6000, s7;
	s12 =	sadd.s32 s12, s14  }
0xf: {  	v1 =	vimm.s32 $0xFFFFFFFF;
	s13 =	smax.u32 s13, $0x1;
	s14 =	simm.s32 $0x1;
	s21 =	sshrl.u32 s7, $0x3  }
.LBB2_1:
0x10: {  	[tilespmem:s3], [sflag:$0x1] =	stream.linear.gather [hbm4b:s4+s3], $0x1000, $0x38;
	[tilespmem:$0x10008] =	vst v63  }
0x11: {  	_ =	swait.ge [sflag:s14], $0x1000  }
0x12: {  	[sflag:s14] =	ssyncset.done $0x0  }
0x13: {  	[sflag:s14] =	ssyncadd.s32 $0xFFFFF000  }
0x14: {  	[tilespmem:s15], [sflag:$0x1] =	stream.linear.gather [hbm4b:s5+s3], $0x1000, $0x38;
	[tilespmem:$0x10008] =	vst v63  }
0x15: {  	_ =	swait.ge [sflag:s14], $0x1000  }
0x16: {  	[sflag:s14] =	ssyncset.done $0x0  }
0x17: {  	[sflag:s14] =	ssyncadd.s32 $0xFFFFF000  }
0x18: {  	[tilespmem:s16], [sflag:$0x1] =	stream.linear.gather [hbm4b:s6+s3], $0x1000, $0x38;
	[tilespmem:$0x10008] =	vst v63  }
0x19: {  	_ =	swait.ge [sflag:s14], $0x1000  }
0x1a: {  	[sflag:s14] =	ssyncset.done $0x0  }
0x1b: {  	[sflag:s14] =	ssyncadd.s32 $0xFFFFF000  }
0x1c: {  	[tilespmem:s17], [sflag:$0x1] =	stream.linear.gather [hbm4b:s8+s3], $0x1000, $0x38;
	[tilespmem:$0x10008] =	vst v63  }
0x1d: {  	_ =	swait.ge [sflag:s14], $0x1000  }
0x1e: {  	[sflag:s14] =	ssyncset.done $0x0  }
0x1f: {  	s23 =	simm.s32 $0x40;
	s24 =	simm.s32 $0x0;
	[sflag:s14] =	ssyncadd.s32 $0xFFFFF000  }
.LBB2_2:
0x20: {  	p0 =	sne.s32 s23, $0x7FC0;
	[tilespmem:s24+$0x6000] =	vst v1;
	s24 =	smov.u32 s23;
	s23 =	sadd.s32 $0x40, s23  }
.Ltmp0:
0x21: {  	(pc) =	sbr.rel @p0 .LBB2_2-.Ltmp0, $2  }
0x22: {  	_ =	sdelay $0x2  }
0x23: {  	s24 =	sshra.s32 s24, $0x2  }
0x24: {  	[tilespmem:s24+$0x6000] =	vst v1  }
0x25: {  	[spmem:s7] =	stream.linear.scatter [tilespmem:s18], [sflag:$0x1], $0x2000, $0x38;
	[tilespmem:$0x10008] =	vst v63  }
0x26: {  	_ =	swait.ge [sflag:s14], $0x2000  }
0x27: {  	[sflag:s14] =	ssyncset.done $0x0  }
0x28: {  	[sflag:s14] =	ssyncadd.s32 $0xFFFFE000  }
0x29: {  	[spmem:s9] =	stream.linear.scatter [tilespmem:s18], [sflag:$0x1], $0x2000, $0x38;
	[tilespmem:$0x10008] =	vst v63  }
0x2a: {  	_ =	swait.ge [sflag:s14], $0x2000  }
0x2b: {  	[sflag:s14] =	ssyncset.done $0x0  }
0x2c: {  	[sflag:s14] =	ssyncadd.s32 $0xFFFFE000  }
0x2d: {  	[spmem:s10] =	stream.linear.scatter [tilespmem:s18], [sflag:$0x1], $0x2000, $0x38;
	[tilespmem:$0x10008] =	vst v63  }
0x2e: {  	_ =	swait.ge [sflag:s14], $0x2000  }
0x2f: {  	[sflag:s14] =	ssyncset.done $0x0  }
0x30: {  	[sflag:s14] =	ssyncadd.s32 $0xFFFFE000  }
0x31: {  	[spmem:s11] =	stream.linear.scatter [tilespmem:s18], [sflag:$0x1], $0x2000, $0x38;
	[tilespmem:$0x10008] =	vst v63  }
0x32: {  	_ =	swait.ge [sflag:s14], $0x2000  }
0x33: {  	[sflag:s14] =	ssyncset.done $0x0  }
0x34: {  	s24 =	simm.s32 $0x0;
	[sflag:s14] =	ssyncadd.s32 $0xFFFFE000  }
0x35: {  	v3 =	vld [tilespmem:s24+$0x0]  }
0x36: {  	v4 =	vld [tilespmem:s24+$0x1000];
	_ =	sdelay $0x1  }
0x37: {  	v5 =	vld [tilespmem:s24+$0x2000]  }
0x38: {  	v6 =	vld [tilespmem:s24+$0x3000]  }
0x39: {  	s23 =	simm.s32 $0x10  }
0x3a: {  	v2 =	vld [tilespmem:s23+$0x0];
	v7 =	vshll.u32 v3, $0x12;
	v8 =	vshll.u32 v4, $0x9  }
0x3b: {  	v4 =	vld [tilespmem:s23+$0x1000];
	v9 =	vshrl.u32 v3, $0x1;
	v7 =	vand.u32 $0x40000, v7;
	v8 =	vand.u32 $0x3FE00, v8  }
0x3c: {  	v3 =	vld [tilespmem:s23+$0x3000];
	v10 =	vand.u32 $0x1FF, v5;
	v7 =	vor.u32 v7, v8;
	v8 =	vand.u32 $0x1, v9  }
0x3d: {  	v5 =	vld [tilespmem:s23+$0x2000];
	v63 =	vand.u32 $0xF, v6;
	v6 =	vor.u32 v10, v7;
	vm0 =	veq.s32 v8, v0  }
0x3e: {  	s25 =	simm.s32 $0x80;
	[tilespmem:s24+$0x5000] =	vst v63;
	v6 =	vnsel vm0, $0x80000, v6  }
.LBB2_4:
0x3f: {  	[tilespmem:s24+$0x4000] =	vst v6;
	v6 =	vmov v2;
	s24 =	smov.u32 s23;
	s23 =	sshra.s32 s25, $0x2;
	p0 =	sne.s32 s25, $0x3FC0  }
.Ltmp1:
0x40: {  	s25 =	sadd.s32 $0x40, s25;
	v2 =	vld [tilespmem:s23+$0x0];
	v7 =	vshll.u32 v6, $0x12;
	v8 =	vshll.u32 v4, $0x9;
	(pc) =	sbr.rel @p0 .LBB2_4-.Ltmp1, $4  }
0x41: {  	v6 =	vshrl.u32 v6, $0x1;
	v4 =	vld [tilespmem:s23+$0x1000];
	v7 =	vand.u32 $0x40000, v7;
	v8 =	vand.u32 $0x3FE00, v8;
	v9 =	vmovc v3  }
0x42: {  	v6 =	vand.u32 $0x1, v6;
	v3 =	vld [tilespmem:s23+$0x3000];
	v10 =	vand.u32 $0x1FF, v5;
	v7 =	vor.u32 v7, v8  }
0x43: {  	v8 =	vand.u32 $0xF, v9;
	vm0 =	veq.s32 v6, v0;
	v5 =	vld [tilespmem:s23+$0x2000];
	v7 =	vor.u32 v10, v7  }
0x44: {  	v6 =	vnsel vm0, $0x80000, v7;
	[tilespmem:s24+$0x5000] =	vst v8  }
0x45: {  	_ = 	snop  }
0x46: {  	v7 =	vshll.u32 v2, $0x12;
	v4 =	vshll.u32 v4, $0x9  }
0x47: {  	v2 =	vshrl.u32 v2, $0x1;
	v7 =	vand.u32 $0x40000, v7;
	v4 =	vand.u32 $0x3FE00, v4  }
0x48: {  	v2 =	vand.u32 $0x1, v2;
	v4 =	vor.u32 v7, v4;
	v5 =	vand.u32 $0x1FF, v5  }
0x49: {  	[tilespmem:s24+$0x4000] =	vst v6;
	v3 =	vand.u32 $0xF, v3;
	vm0 =	veq.s32 v2, v0;
	v4 =	vor.u32 v5, v4  }
0x4a: {  	[tilespmem:s23+$0x5000] =	vst v3;
	v2 =	vnsel vm0, $0x80000, v4  }
0x4b: {  	[tilespmem:s23+$0x4000] =	vst v2  }
0x4c: {  	s30 =	simm.s32 $0x5000;
	s31 =	simm.s32 $0x4000;
	[bflag:$0x0] =	sbarrier.arrive $0xFFFF  }
0x4d: {  	[spmem:s1] =	stream.indirect.scatter [tilespmem:s30], [sflag:$0x1], $0x1, s31, s19, $0xb8;
	[tilespmem:$0x10008] =	vst v63  }
0x4e: {  	s23 =	simm.s32 $0x200;
	_ =	swait.ge [sflag:s14], $0x80  }
.LBB2_6:
0x4f: {  	s24 =	sshra.s32 s23, $0x2  }
0x50: {  	[sflag:s14] =	ssyncset.done $0x0;
	p0 =	sne.s32 s23, $0x3E00;
	s25 =	sadd.s32 $0x5000, s24  }
.Ltmp2:
0x51: {  	s24 =	sadd.s32 $0x4000, s24;
	[sflag:s14] =	ssyncadd.s32 $0xFFFFFF80;
	(pc) =	sbr.rel @p0 .LBB2_6-.Ltmp2, $3  }
0x52: {  	[spmem:s1] =	stream.indirect.scatter [tilespmem:s25], [sflag:$0x1], $0x1, s24, s19, $0xb8;
	[tilespmem:$0x10008] =	vst v63  }
0x53: {  	s23 =	sadd.s32 $0x200, s23;
	_ =	sdelay $0x1  }
0x54: {  	_ =	swait.ge [sflag:s14], $0x80  }
0x55: {  	[sflag:s14] =	ssyncset.done $0x0;
	s22 =	sadd.s32 $0x1, s22  }
0x56: {  	[sflag:s14] =	ssyncadd.s32 $0xFFFFFF80;
	p0 =	sne.s32 s22, s13  }
.Ltmp3:
0x57: {  	[bflag:$0x0] =	sbarrier.arrive $0xFFFF;
	(pc) =	sbr.rel @p0 .LBB2_1-.Ltmp3, $4  }
0x58: {  	[hbm:s12], [sflag:s20] =	dma.local [spmem:s21], $0x1000  }
0x59: {  	_ =	swait.ge [sflag:s14], $0x1000  }
0x5a: {  	[sflag:s14] =	ssyncset.done $0x0  }
0x5b: {  	[sflag:s14] =	ssyncadd.s32 $0xFFFFF000  }
0x5c: {  	_ =	sfence.sel $0x180000  }
0x5d: {  	[bflag:$0x0] =	sbarrier.arrive $0xFFFF  }
0x5e: {  	p0 =	sne.s32 s2, $0x0;
	_ =	strace $0x90000047  }
0x5f: {  	s0 =	sadd.s32 @!p0 $0x100000, s0;
	[bflag:$0x2] =	sbarrier.arrive $0xFFFF  }
0x60: {  	[sflag:s0] =	ssyncadd.tile.s32 @!p0 $0x1;
	_ =	shalt  }
.Lfunc_end2:
_tile_overlayer_lowered:
.L_overlay_start_2:
0x61: {  	(tag) =	ssettag $0x2  }
0x62: {  	s0 =	rddreg [dreg:$0x0];
	s2 =	stileid.u32  }
0x63: {  	s1 =	rddreg [dreg:$0x1];
	p0 =	sne.s32 s2, $0x0  }
0x64: {  	s3 =	rddreg [dreg:$0x2];
	[bflag:$0x3] =	sbarrier.arrive $0xFFFF;
	s2 =	simm.s32 @!p0 $0x1C01  }
0x65: {  	[timem:s3], [sflag:s2] =	dma.local @!p0 [hbm:s0], s1  }
0x66: {  	s0 =	simm.s32 @!p0 $0x1  }
0x67: {  	_ =	swait.ge @!p0 [sflag:s0], s1  }
0x68: {  	s1 =	ssub.s32 @!p0 $0x0, s1;
	[sflag:s0] =	ssyncset.done @!p0 $0x0  }
0x69: {  	[sflag:s0] =	ssyncadd.s32 @!p0 s1  }
0x6a: {  	[bflag:$0x3] =	sbarrier.arrive $0xFFFF  }
0x6b: {  	_ =	shalt  }

</sc_bundles>
